<compile_context>
chip_gen: v7x
topology: tpu7x:2x2x1
jax: 0.10.2.dev20260603
libtpu: 0.0.44.dev20260713+nightly
codegen_flags: <defaults>
</compile_context>

<pallas_src>
import functools

import jax
import jax.numpy as jnp
from jax import lax
from jax.experimental import pallas as pl
from jax.experimental.pallas import tpu as pltpu
from jax.experimental.pallas import tpu_sc as plsc

N = 10000
E = 160000
EN = E + N
F = 256
HID = 256
C = 64
NEG = 0.2

NC = 2
NS = 16
L = 16

HALF = N // NC
DUMP = HALF
AGG_ROWS = 5120
ROWS_PER_TILE = AGG_ROWS // NS
DEN_PAD = 5120
EN_PAD = 170240
STRIPE = EN_PAD // NS
NCHUNKS = 5
CHUNK = STRIPE // NCHUNKS
B = 32
G = 2
CAP = 2176


def _tc1_body(x_ref, w_ref, wab_ref, h_ref, ab_ref):
    xb = x_ref[...]
    h_ref[...] = jnp.dot(xb, w_ref[...], preferred_element_type=jnp.float32)
    ab_ref[...] = jnp.dot(xb, wab_ref[...], preferred_element_type=jnp.float32)


_tc1 = pl.pallas_call(
    _tc1_body,
    grid=(10,),
    in_specs=[
        pl.BlockSpec((N // 10, F), lambda i: (i, 0)),
        pl.BlockSpec((F, HID), lambda i: (0, 0)),
        pl.BlockSpec((F, 128), lambda i: (0, 0)),
    ],
    out_specs=[
        pl.BlockSpec((N // 10, HID), lambda i: (i, 0)),
        pl.BlockSpec((N // 10, 128), lambda i: (i, 0)),
    ],
    out_shape=[
        jax.ShapeDtypeStruct((N, HID), jnp.float32),
        jax.ShapeDtypeStruct((N, 128), jnp.float32),
    ],
)


_sc_mesh = plsc.VectorSubcoreMesh(core_axis_name="c", subcore_axis_name="s")


@functools.partial(
    pl.kernel,
    mesh=_sc_mesh,
    compiler_params=pltpu.CompilerParams(use_tc_tiling_on_sc=False,
                                         needs_layout_passes=False),
    out_type=[
        jax.ShapeDtypeStruct((NC, AGG_ROWS, HID), jnp.float32),
        jax.ShapeDtypeStruct((NC, NS, DEN_PAD), jnp.float32),
    ],
    scratch_types=[
        pltpu.VMEM((CHUNK,), jnp.int32),
        pltpu.VMEM((CHUNK,), jnp.int32),
        pltpu.VMEM((CAP,), jnp.int32),
        pltpu.VMEM((CAP,), jnp.int32),
        pltpu.VMEM((CAP,), jnp.float32),
        pltpu.VMEM((N,), jnp.float32),
        pltpu.VMEM((DEN_PAD,), jnp.float32),
        pltpu.VMEM((DEN_PAD,), jnp.float32),
        *([pltpu.VMEM((B, HID), jnp.float32)] * G),
        *([pltpu.VMEM((B,), jnp.int32)] * G),
        pltpu.VMEM_SHARED((AGG_ROWS, HID), jnp.float32),
        *([pltpu.SemaphoreType.DMA] * G),
        pltpu.SemaphoreType.DMA,
    ],
)
def _sc_gat(h_hbm, asrc_hbm, adst_hbm, src_hbm, dst_hbm,
            agg_out, den_out,
            stage_src, stage_dst, src_l, dst_l, e_l,
            asrc_v, adst_v, denp_v,
            rb0, rb1, db0, db1,
            agg_s, sg0, sg1, sem_s):
    bufs = (rb0, rb1)
    dbs = (db0, db1)
    sems = (sg0, sg1)
    cid = lax.axis_index("c")
    sid = lax.axis_index("s")
    lo = cid * HALF

    pltpu.sync_copy(asrc_hbm, asrc_v)

    zf = jnp.zeros((L,), jnp.float32)
    zi = jnp.zeros((L,), jnp.int32)
    dv = jnp.full((L,), DUMP, jnp.int32)

    def _zadst(i, _):
        adst_v[pl.ds(i * L, L)] = zf
        return 0
    lax.fori_loop((HALF - 8) // L, DEN_PAD // L, _zadst, 0)
    pltpu.sync_copy(adst_hbm.at[pl.ds(lo, HALF)], adst_v.at[pl.ds(0, HALF)])

    def _zden(i, _):
        denp_v[pl.ds(i * L, L)] = zf
        return 0
    lax.fori_loop(0, DEN_PAD // L, _zden, 0)

    def _zrow(i, _):
        rb0[i // (HID // L), pl.ds((i % (HID // L)) * L, L)] = zf
        return 0
    lax.fori_loop(0, B * (HID // L), _zrow, 0)
    base = sid * ROWS_PER_TILE
    for k in range(ROWS_PER_TILE // B):
        pltpu.sync_copy(rb0, agg_s.at[pl.ds(base + k * B, B)])
    plsc.subcore_barrier()

    def _chunk(q, _):
        cbase = sid * STRIPE + q * CHUNK
        with jax.named_scope("sc_stage"):
            pltpu.sync_copy(src_hbm.at[pl.ds(cbase, CHUNK)], stage_src)
            pltpu.sync_copy(dst_hbm.at[pl.ds(cbase, CHUNK)], stage_dst)

        def _init(i, _):
            src_l[pl.ds(i * L, L)] = zi
            dst_l[pl.ds(i * L, L)] = dv
            return 0
        with jax.named_scope("sc_init"):
            lax.fori_loop(0, CAP // L, _init, 0)

        def _comp(i, off):
            s = stage_src[pl.ds(i * L, L)]
            d = stage_dst[pl.ds(i * L, L)]
            m = (d >= lo) & (d < lo + HALF)
            pos = off + plsc.cumsum(m.astype(jnp.int32)) - 1
            plsc.store_scatter(src_l, [pos], s, mask=m)
            plsc.store_scatter(dst_l, [pos], d - lo, mask=m)
            return jnp.max(pos) + 1
        with jax.named_scope("sc_comp"):
            n_e = lax.fori_loop(0, CHUNK // L, _comp, jnp.int32(0))

        def _edge(i, _):
            s = src_l[pl.ds(i * L, L)]
            dl = dst_l[pl.ds(i * L, L)]
            lg = plsc.load_gather(asrc_v, [s]) + plsc.load_gather(adst_v, [dl])
            lg = jnp.where(lg >= 0, lg, lg * NEG)
            ev = jnp.exp(lg)
            e_l[pl.ds(i * L, L)] = ev
            plsc.addupdate_scatter(denp_v, [dl], ev)
            return 0
        with jax.named_scope("sc_edge"):
            lax.fori_loop(0, (n_e + L - 1) // L, _edge, 0)

        ngroups = (n_e + G * B - 1) // (G * B)

        def _group(g, _):
            cps = []
            for u in range(G):
                b = g * G + u
                cps.append(pltpu.async_copy(
                    h_hbm.at[src_l.at[pl.ds(b * B, B)]], bufs[u], sems[u]))
            for u in range(G):
                b = g * G + u
                buf, db = bufs[u], dbs[u]
                with jax.named_scope("hv_wait"):
                    cps[u].wait()

                with jax.named_scope("hv_scale"):
                    @plsc.parallel_loop(0, B)
                    def _scale(r):
                        av = plsc.load_gather(e_l, [jnp.full((L,), b * B + r,
                                                             jnp.int32)])
                        for c in range(HID // L):
                            buf[r, pl.ds(c * L, L)] = buf[r, pl.ds(c * L, L)] * av
                    for c in range(B // L):
                        db[pl.ds(c * L, L)] = dst_l[pl.ds(b * B + c * L, L)]
                with jax.named_scope("hv_scatter"):
                    pltpu.sync_copy(buf, agg_s.at[db], add=True)
            return 0
        with jax.named_scope("sc_heavy"):
            lax.fori_loop(0, ngroups, _group, 0)
        return 0
    lax.fori_loop(0, NCHUNKS, _chunk, 0)

    pltpu.sync_copy(denp_v, den_out.at[cid, sid])
    plsc.subcore_barrier()

    pltpu.sync_copy(agg_s.at[pl.ds(base, ROWS_PER_TILE)],
                    agg_out.at[cid, pl.ds(base, ROWS_PER_TILE)])


def _tc2_body(agg_ref, den_ref, bg_ref, wo_ref, bo_ref, hr_ref, z_ref):
    dsum = jnp.sum(den_ref[0], axis=0)
    a = agg_ref[0] / (dsum[:, None] + 1e-16) + bg_ref[...][None, :]
    hr = jnp.maximum(a, 0.0)
    hr_ref[0] = hr
    z_ref[0] = jnp.dot(hr, wo_ref[...],
                       preferred_element_type=jnp.float32) + bo_ref[...][None, :]


_BR = 1280

_tc2 = pl.pallas_call(
    _tc2_body,
    grid=(NC, 4),
    in_specs=[
        pl.BlockSpec((1, _BR, HID), lambda h, j: (h, j, 0)),
        pl.BlockSpec((1, NS, _BR), lambda h, j: (h, 0, j)),
        pl.BlockSpec((HID,), lambda h, j: (0,)),
        pl.BlockSpec((HID, C), lambda h, j: (0, 0)),
        pl.BlockSpec((C,), lambda h, j: (0,)),
    ],
    out_specs=[
        pl.BlockSpec((1, _BR, HID), lambda h, j: (h, j, 0)),
        pl.BlockSpec((1, _BR, C), lambda h, j: (h, j, 0)),
    ],
    out_shape=[
        jax.ShapeDtypeStruct((NC, HALF, HID), jnp.float32),
        jax.ShapeDtypeStruct((NC, HALF, C), jnp.float32),
    ],
)


def kernel(x, edge_index, W, att_src, att_dst, bias_gat, W_out, b_out):
    wab = jnp.zeros((F, 128), jnp.float32)
    wab = wab.at[:, 0].set(W @ att_src).at[:, 1].set(W @ att_dst)

    loop = jnp.arange(N, dtype=jnp.int32)
    pad = EN_PAD - EN
    src = jnp.concatenate([edge_index[0], loop,
                           jnp.zeros((pad,), jnp.int32)])
    dst = jnp.concatenate([edge_index[1], loop,
                           jnp.full((pad,), -1, jnp.int32)])

    h, ab = _tc1(x, W, wab)
    agg2, den2 = _sc_gat(h, ab[:, 0], ab[:, 1], src, dst)
    hr2, z2 = _tc2(agg2, den2, bias_gat, W_out, b_out)
    return (hr2.reshape(N, HID), z2.reshape(N, C))

# --- scband reference (transcript-rebuilt; emitter-appended) ---
"""Pipeline reference for scband-gat-51402168598781 (READ-ONLY COPY).

The authoritative reference and input builder live on the scoring server;
editing this copy changes nothing except your own understanding.
"""

import jax, jax.numpy as jnp
import numpy as np

N = 10000
E = 160000
F_IN = 256
HID = 256
C = 64
NEG_SLOPE = 0.2


def setup_inputs(seed: int = 0) -> dict:
    key = jax.random.key(seed)
    ks = jax.random.split(key, 9)
    x = jax.random.normal(ks[0], (N, F_IN), dtype=jnp.float32)
    edge_index = jax.random.randint(ks[1], (2, E), 0, N, dtype=jnp.int32)
    W = jax.random.normal(ks[2], (F_IN, HID), dtype=jnp.float32) * (1.0 / np.sqrt(F_IN))
    att_src = jax.random.normal(ks[3], (HID,), dtype=jnp.float32) * (1.0 / np.sqrt(HID))
    att_dst = jax.random.normal(ks[4], (HID,), dtype=jnp.float32) * (1.0 / np.sqrt(HID))
    bias_gat = jnp.zeros((HID,), dtype=jnp.float32)
    W_out = jax.random.normal(ks[5], (HID, C), dtype=jnp.float32) * (1.0 / np.sqrt(HID))
    b_out = jnp.zeros((C,), dtype=jnp.float32)
    return {"x": x, "edge_index": edge_index, "W": W, "att_src": att_src,
            "att_dst": att_dst, "bias_gat": bias_gat, "W_out": W_out, "b_out": b_out}


def _segment_softmax(logits, seg, num_segments):
    m = jax.ops.segment_max(logits, seg, num_segments=num_segments)
    m = jnp.where(jnp.isfinite(m), m, 0.0)
    e = jnp.exp(logits - m[seg])
    denom = jax.ops.segment_sum(e, seg, num_segments=num_segments)
    return e / (denom[seg] + 1e-16)


def reference(x, edge_index, W, att_src, att_dst, bias_gat, W_out, b_out):
    # GATConv (single head, concat=True, add_self_loops=True), as in PyG
    loop = jnp.arange(N, dtype=edge_index.dtype)
    src = jnp.concatenate([edge_index[0], loop])
    dst = jnp.concatenate([edge_index[1], loop])
    h = x @ W                                   # [N, HID]
    a_src = h @ att_src                         # [N]
    a_dst = h @ att_dst                         # [N]
    alpha = a_src[src] + a_dst[dst]             # [E+N]
    alpha = jax.nn.leaky_relu(alpha, NEG_SLOPE)
    alpha = _segment_softmax(alpha, dst, N)
    msgs = alpha[:, None] * h[src]              # [E+N, HID]
    agg = jax.ops.segment_sum(msgs, dst, num_segments=N) + bias_gat
    h_relu = jax.nn.relu(agg)
    z = h_relu @ W_out + b_out
    return (h_relu, z)

if __name__ == "__main__":
    import jax
    _d = setup_inputs()
    print(jax.jit(kernel)(*tuple(_d.values())))

</pallas_src>

<mosaic_0001>
#map = affine_map<(d0, d1) -> (0, 0)>
#map1 = affine_map<(d0, d1) -> (0)>
#map2 = affine_map<(d0, d1) -> (0, 0, 0)>
module attributes {stable_mosaic.version = 14 : i64} {
  func.func @_sc_gat(%arg0: i32, %arg1: i32, %arg2: memref<10000x256xf32, #tpu.memory_space<hbm>>, %arg3: memref<10000xf32, #tpu.memory_space<hbm>>, %arg4: memref<10000xf32, #tpu.memory_space<hbm>>, %arg5: memref<170240xi32, #tpu.memory_space<hbm>>, %arg6: memref<170240xi32, #tpu.memory_space<hbm>>, %arg7: memref<2x5120x256xf32, #tpu.memory_space<hbm>>, %arg8: memref<2x16x5120xf32, #tpu.memory_space<hbm>>, %arg9: memref<2128xi32, #tpu.memory_space<vmem>>, %arg10: memref<2128xi32, #tpu.memory_space<vmem>>, %arg11: memref<2176xi32, #tpu.memory_space<vmem>>, %arg12: memref<2176xi32, #tpu.memory_space<vmem>>, %arg13: memref<2176xf32, #tpu.memory_space<vmem>>, %arg14: memref<10000xf32, #tpu.memory_space<vmem>>, %arg15: memref<5120xf32, #tpu.memory_space<vmem>>, %arg16: memref<5120xf32, #tpu.memory_space<vmem>>, %arg17: memref<32x256xf32, #tpu.memory_space<vmem>>, %arg18: memref<32x256xf32, #tpu.memory_space<vmem>>, %arg19: memref<32xi32, #tpu.memory_space<vmem>>, %arg20: memref<32xi32, #tpu.memory_space<vmem>>, %arg21: memref<5120x256xf32, #tpu.memory_space<vmem_shared>>, %arg22: memref<!tpu.dma_semaphore, #tpu.memory_space<semaphore_mem>>, %arg23: memref<!tpu.dma_semaphore, #tpu.memory_space<semaphore_mem>>, %arg24: memref<!tpu.dma_semaphore, #tpu.memory_space<semaphore_mem>>) attributes {dimension_semantics = [#tpu.dimension_semantics<core_parallel>, #tpu.dimension_semantics<subcore_parallel>], iteration_bounds = array<i64: 2, 16>, scalar_prefetch = 0 : i64, scratch_operands = 16 : i64, tpu.core_type = #tpu.core_type<sc_vector_subcore>, window_params = [{transform_indices = #map}, {transform_indices = #map1}, {transform_indices = #map1}, {transform_indices = #map1}, {transform_indices = #map1}, {transform_indices = #map2}, {transform_indices = #map2}]} {
    %mul3A = arith.constant 5000 : i32
    %mul3A_0 = arith.muli %arg0, %mul3A : i32
    "tpu.region"() ({
      %run_scoped3A = tpu.sem_alloc : memref<!tpu.dma_semaphore, #tpu.memory_space<semaphore_mem>>
      tpu.enqueue_dma source(%arg3 : memref<10000xf32, #tpu.memory_space<hbm>>) target(%arg14 : memref<10000xf32, #tpu.memory_space<vmem>>) target_semaphore(%run_scoped3A : memref<!tpu.dma_semaphore, #tpu.memory_space<semaphore_mem>>)
      tpu.wait_dma2 semaphore(%run_scoped3A : memref<!tpu.dma_semaphore, #tpu.memory_space<semaphore_mem>>) src(%arg3 : memref<10000xf32, #tpu.memory_space<hbm>>) dst(%arg14 : memref<10000xf32, #tpu.memory_space<vmem>>)
      tpu.yield
    }) : () -> ()
    %broadcast_in_dim3A = arith.constant 0.000000e+00 : f32
    %broadcast_in_dim3A_1 = vector.broadcast %broadcast_in_dim3A : f32 to vector<16xf32>
    %broadcast_in_dim3A_2 = arith.constant 0 : i32
    %broadcast_in_dim3A_3 = vector.broadcast %broadcast_in_dim3A_2 : i32 to vector<16xi32>
    %broadcast_in_dim3A_4 = arith.constant 5000 : i32
    %broadcast_in_dim3A_5 = vector.broadcast %broadcast_in_dim3A_4 : i32 to vector<16xi32>
    %scan3A = arith.constant 0 : i32
    %scan3A_6 = arith.constant 312 : i32
    %scan3A_7 = arith.constant 8 : i32
    %scan3A_8 = arith.addi %scan3A_6, %scan3A_7 : i32
    %scan3A_9 = arith.constant 1 : i32
    %scan3A_10 = scf.for %scan3A_55 = %scan3A_6 to %scan3A_8 step %scan3A_9 iter_args(%scan3A_56 = %scan3A) -> (i32)  : i32 {
      %mul3A_57 = arith.constant 16 : i32
      %mul3A_58 = arith.muli %scan3A_55, %mul3A_57 : i32
      %swap3A = arith.index_cast %mul3A_58 : i32 to index
      %swap3A_59 = tpu.vector_load %arg15[%swap3A] {strides = array<i32>} : memref<5120xf32, #tpu.memory_space<vmem>>, vector<16xf32>,
      tpu.vector_store %arg15[%swap3A], %broadcast_in_dim3A_1 {strides = array<i32>} : memref<5120xf32, #tpu.memory_space<vmem>>, vector<16xf32>,
      %scan3A_60 = arith.constant 0 : i32
      scf.yield %scan3A_60 : i32
    }
    %scan3A_11 = arith.constant 8 : i32
    "tpu.region"() ({
      %run_scoped3A = tpu.sem_alloc : memref<!tpu.dma_semaphore, #tpu.memory_space<semaphore_mem>>
      %dma_start3A = arith.constant 0 : i32
      %dma_start3A_55 = tpu.memref_slice %arg15[%dma_start3A] : memref<5120xf32, #tpu.memory_space<vmem>> -> memref<5000xf32, #tpu.memory_space<vmem>>
      %dma_start3A_56 = tpu.memref_slice %arg4[%mul3A_0] : memref<10000xf32, #tpu.memory_space<hbm>> -> memref<5000xf32, #tpu.memory_space<hbm>>
      %dma_start3A_57 = arith.constant 0 : i32
      %dma_start3A_58 = tpu.memref_slice %arg15[%dma_start3A_57] : memref<5120xf32, #tpu.memory_space<vmem>> -> memref<5000xf32, #tpu.memory_space<vmem>>
      %dma_start3A_59 = tpu.memref_slice %arg4[%mul3A_0] : memref<10000xf32, #tpu.memory_space<hbm>> -> memref<5000xf32, #tpu.memory_space<hbm>>
      tpu.enqueue_dma source(%dma_start3A_59 : memref<5000xf32, #tpu.memory_space<hbm>>) target(%dma_start3A_58 : memref<5000xf32, #tpu.memory_space<vmem>>) target_semaphore(%run_scoped3A : memref<!tpu.dma_semaphore, #tpu.memory_space<semaphore_mem>>)
      %dma_wait3A = arith.constant 0 : i32
      %dma_wait3A_60 = tpu.memref_slice %arg15[%dma_wait3A] : memref<5120xf32, #tpu.memory_space<vmem>> -> memref<5000xf32, #tpu.memory_space<vmem>>
      %dma_wait3A_61 = tpu.memref_slice %arg4[%mul3A_0] : memref<10000xf32, #tpu.memory_space<hbm>> -> memref<5000xf32, #tpu.memory_space<hbm>>
      %dma_wait3A_62 = arith.constant 0 : i32
      %dma_wait3A_63 = tpu.memref_slice %arg15[%dma_wait3A_62] : memref<5120xf32, #tpu.memory_space<vmem>> -> memref<5000xf32, #tpu.memory_space<vmem>>
      %dma_wait3A_64 = tpu.memref_slice %arg4[%mul3A_0] : memref<10000xf32, #tpu.memory_space<hbm>> -> memref<5000xf32, #tpu.memory_space<hbm>>
      tpu.wait_dma2 semaphore(%run_scoped3A : memref<!tpu.dma_semaphore, #tpu.memory_space<semaphore_mem>>) src(%dma_wait3A_64 : memref<5000xf32, #tpu.memory_space<hbm>>) dst(%dma_wait3A_63 : memref<5000xf32, #tpu.memory_space<vmem>>)
      tpu.yield
    }) : () -> ()
    %scan3A_12 = arith.constant 0 : i32
    %scan3A_13 = arith.constant 0 : i32
    %scan3A_14 = arith.constant 320 : i32
    %scan3A_15 = arith.addi %scan3A_13, %scan3A_14 : i32
    %scan3A_16 = arith.constant 1 : i32
    %scan3A_17 = scf.for %scan3A_55 = %scan3A_13 to %scan3A_15 step %scan3A_16 iter_args(%scan3A_56 = %scan3A_12) -> (i32)  : i32 {
      %mul3A_57 = arith.constant 16 : i32
      %mul3A_58 = arith.muli %scan3A_55, %mul3A_57 : i32
      %swap3A = arith.index_cast %mul3A_58 : i32 to index
      %swap3A_59 = tpu.vector_load %arg16[%swap3A] {strides = array<i32>} : memref<5120xf32, #tpu.memory_space<vmem>>, vector<16xf32>,
      tpu.vector_store %arg16[%swap3A], %broadcast_in_dim3A_1 {strides = array<i32>} : memref<5120xf32, #tpu.memory_space<vmem>>, vector<16xf32>,
      %scan3A_60 = arith.constant 0 : i32
      scf.yield %scan3A_60 : i32
    }
    %scan3A_18 = arith.constant 320 : i32
    %scan3A_19 = arith.constant 0 : i32
    %scan3A_20 = arith.constant 0 : i32
    %scan3A_21 = arith.constant 512 : i32
    %scan3A_22 = arith.addi %scan3A_20, %scan3A_21 : i32
    %scan3A_23 = arith.constant 1 : i32
    %scan3A_24 = scf.for %scan3A_55 = %scan3A_20 to %scan3A_22 step %scan3A_23 iter_args(%scan3A_56 = %scan3A_19) -> (i32)  : i32 {
      %jit3A = arith.constant 16 : i32
      %div3A = arith.divsi %scan3A_55, %jit3A : i32
      %sign3A = arith.constant 0 : i32
      %sign3A_57 = arith.cmpi sgt, %scan3A_55, %sign3A : i32
      %sign3A_58 = arith.extui %sign3A_57 : i1 to i32
      %sign3A_59 = arith.constant 0 : i32
      %sign3A_60 = arith.cmpi slt, %scan3A_55, %sign3A_59 : i32
      %sign3A_61 = arith.extui %sign3A_60 : i1 to i32
      %sign3A_62 = arith.subi %sign3A_58, %sign3A_61 : i32
      %sign3A_63 = arith.constant 0 : i32
      %sign3A_64 = arith.cmpi sgt, %jit3A, %sign3A_63 : i32
      %sign3A_65 = arith.extui %sign3A_64 : i1 to i32
      %sign3A_66 = arith.constant 0 : i32
      %sign3A_67 = arith.cmpi slt, %jit3A, %sign3A_66 : i32
      %sign3A_68 = arith.extui %sign3A_67 : i1 to i32
      %sign3A_69 = arith.subi %sign3A_65, %sign3A_68 : i32
      %ne3A = arith.cmpi ne, %sign3A_62, %sign3A_69 : i32
      %rem3A = arith.remsi %scan3A_55, %jit3A : i32
      %ne3A_70 = arith.constant 0 : i32
      %ne3A_71 = arith.cmpi ne, %rem3A, %ne3A_70 : i32
      %and3A = arith.andi %ne3A, %ne3A_71 : i1
      %sub3A = arith.constant 1 : i32
      %sub3A_72 = arith.subi %div3A, %sub3A : i32
      %select_n3A = arith.select %and3A, %sub3A_72, %div3A : i32
      %jit3A_73 = arith.constant 16 : i32
      %eq3A = arith.constant 0 : i32
      %eq3A_74 = arith.cmpi eq, %jit3A_73, %eq3A : i32
      %jit3A_75 = arith.constant 1 : i32
      %select_n3A_76 = arith.select %eq3A_74, %jit3A_75, %jit3A_73 : i32
      %rem3A_77 = arith.remsi %scan3A_55, %select_n3A_76 : i32
      %ne3A_78 = arith.constant 0 : i32
      %ne3A_79 = arith.cmpi ne, %rem3A_77, %ne3A_78 : i32
      %lt3A = arith.constant 0 : i32
      %lt3A_80 = arith.cmpi slt, %rem3A_77, %lt3A : i32
      %lt3A_81 = arith.constant 0 : i32
      %lt3A_82 = arith.cmpi slt, %select_n3A_76, %lt3A_81 : i32
      %ne3A_83 = arith.xori %lt3A_80, %lt3A_82 : i1
      %and3A_84 = arith.andi %ne3A_83, %ne3A_79 : i1
      %add3A_85 = arith.addi %rem3A_77, %select_n3A_76 : i32
      %select_n3A_86 = arith.select %and3A_84, %add3A_85, %rem3A_77 : i32
      %mul3A_87 = arith.constant 16 : i32
      %mul3A_88 = arith.muli %select_n3A_86, %mul3A_87 : i32
      %swap3A = arith.index_cast %select_n3A : i32 to index
      %swap3A_89 = arith.index_cast %mul3A_88 : i32 to index
      %swap3A_90 = tpu.vector_load %arg17[%swap3A, %swap3A_89] {strides = array<i32>} : memref<32x256xf32, #tpu.memory_space<vmem>>, vector<16xf32>,
      tpu.vector_store %arg17[%swap3A, %swap3A_89], %broadcast_in_dim3A_1 {strides = array<i32>} : memref<32x256xf32, #tpu.memory_space<vmem>>, vector<16xf32>,
      %scan3A_91 = arith.constant 0 : i32
      scf.yield %scan3A_91 : i32
    }
    %scan3A_25 = arith.constant 512 : i32
    %mul3A_26 = arith.constant 320 : i32
    %mul3A_27 = arith.muli %arg1, %mul3A_26 : i32
    %add3A = arith.constant 0 : i32
    %add3A_28 = arith.addi %mul3A_27, %add3A : i32
    "tpu.region"() ({
      %run_scoped3A = tpu.sem_alloc : memref<!tpu.dma_semaphore, #tpu.memory_space<semaphore_mem>>
      %dma_start3A = arith.constant 0 : i32
      %dma_start3A_55 = tpu.memref_slice %arg21[%add3A_28, %dma_start3A] : memref<5120x256xf32, #tpu.memory_space<vmem_shared>> -> memref<32x256xf32, #tpu.memory_space<vmem_shared>>
      %dma_start3A_56 = arith.constant 0 : i32
      %dma_start3A_57 = tpu.memref_slice %arg21[%add3A_28, %dma_start3A_56] : memref<5120x256xf32, #tpu.memory_space<vmem_shared>> -> memref<32x256xf32, #tpu.memory_space<vmem_shared>>
      tpu.enqueue_dma source(%arg17 : memref<32x256xf32, #tpu.memory_space<vmem>>) target(%dma_start3A_57 : memref<32x256xf32, #tpu.memory_space<vmem_shared>>) target_semaphore(%run_scoped3A : memref<!tpu.dma_semaphore, #tpu.memory_space<semaphore_mem>>)
      %dma_wait3A = arith.constant 0 : i32
      %dma_wait3A_58 = tpu.memref_slice %arg21[%add3A_28, %dma_wait3A] : memref<5120x256xf32, #tpu.memory_space<vmem_shared>> -> memref<32x256xf32, #tpu.memory_space<vmem_shared>>
      %dma_wait3A_59 = arith.constant 0 : i32
      %dma_wait3A_60 = tpu.memref_slice %arg21[%add3A_28, %dma_wait3A_59] : memref<5120x256xf32, #tpu.memory_space<vmem_shared>> -> memref<32x256xf32, #tpu.memory_space<vmem_shared>>
      tpu.wait_dma2 semaphore(%run_scoped3A : memref<!tpu.dma_semaphore, #tpu.memory_space<semaphore_mem>>) src(%arg17 : memref<32x256xf32, #tpu.memory_space<vmem>>) dst(%dma_wait3A_60 : memref<32x256xf32, #tpu.memory_space<vmem_shared>>)
      tpu.yield
    }) : () -> ()
    %add3A_29 = arith.constant 32 : i32
    %add3A_30 = arith.addi %mul3A_27, %add3A_29 : i32
    "tpu.region"() ({
      %run_scoped3A = tpu.sem_alloc : memref<!tpu.dma_semaphore, #tpu.memory_space<semaphore_mem>>
      %dma_start3A = arith.constant 0 : i32
      %dma_start3A_55 = tpu.memref_slice %arg21[%add3A_30, %dma_start3A] : memref<5120x256xf32, #tpu.memory_space<vmem_shared>> -> memref<32x256xf32, #tpu.memory_space<vmem_shared>>
      %dma_start3A_56 = arith.constant 0 : i32
      %dma_start3A_57 = tpu.memref_slice %arg21[%add3A_30, %dma_start3A_56] : memref<5120x256xf32, #tpu.memory_space<vmem_shared>> -> memref<32x256xf32, #tpu.memory_space<vmem_shared>>
      tpu.enqueue_dma source(%arg17 : memref<32x256xf32, #tpu.memory_space<vmem>>) target(%dma_start3A_57 : memref<32x256xf32, #tpu.memory_space<vmem_shared>>) target_semaphore(%run_scoped3A : memref<!tpu.dma_semaphore, #tpu.memory_space<semaphore_mem>>)
      %dma_wait3A = arith.constant 0 : i32
      %dma_wait3A_58 = tpu.memref_slice %arg21[%add3A_30, %dma_wait3A] : memref<5120x256xf32, #tpu.memory_space<vmem_shared>> -> memref<32x256xf32, #tpu.memory_space<vmem_shared>>
      %dma_wait3A_59 = arith.constant 0 : i32
      %dma_wait3A_60 = tpu.memref_slice %arg21[%add3A_30, %dma_wait3A_59] : memref<5120x256xf32, #tpu.memory_space<vmem_shared>> -> memref<32x256xf32, #tpu.memory_space<vmem_shared>>
      tpu.wait_dma2 semaphore(%run_scoped3A : memref<!tpu.dma_semaphore, #tpu.memory_space<semaphore_mem>>) src(%arg17 : memref<32x256xf32, #tpu.memory_space<vmem>>) dst(%dma_wait3A_60 : memref<32x256xf32, #tpu.memory_space<vmem_shared>>)
      tpu.yield
    }) : () -> ()
    %add3A_31 = arith.constant 64 : i32
    %add3A_32 = arith.addi %mul3A_27, %add3A_31 : i32
    "tpu.region"() ({
      %run_scoped3A = tpu.sem_alloc : memref<!tpu.dma_semaphore, #tpu.memory_space<semaphore_mem>>
      %dma_start3A = arith.constant 0 : i32
      %dma_start3A_55 = tpu.memref_slice %arg21[%add3A_32, %dma_start3A] : memref<5120x256xf32, #tpu.memory_space<vmem_shared>> -> memref<32x256xf32, #tpu.memory_space<vmem_shared>>
      %dma_start3A_56 = arith.constant 0 : i32
      %dma_start3A_57 = tpu.memref_slice %arg21[%add3A_32, %dma_start3A_56] : memref<5120x256xf32, #tpu.memory_space<vmem_shared>> -> memref<32x256xf32, #tpu.memory_space<vmem_shared>>
      tpu.enqueue_dma source(%arg17 : memref<32x256xf32, #tpu.memory_space<vmem>>) target(%dma_start3A_57 : memref<32x256xf32, #tpu.memory_space<vmem_shared>>) target_semaphore(%run_scoped3A : memref<!tpu.dma_semaphore, #tpu.memory_space<semaphore_mem>>)
      %dma_wait3A = arith.constant 0 : i32
      %dma_wait3A_58 = tpu.memref_slice %arg21[%add3A_32, %dma_wait3A] : memref<5120x256xf32, #tpu.memory_space<vmem_shared>> -> memref<32x256xf32, #tpu.memory_space<vmem_shared>>
      %dma_wait3A_59 = arith.constant 0 : i32
      %dma_wait3A_60 = tpu.memref_slice %arg21[%add3A_32, %dma_wait3A_59] : memref<5120x256xf32, #tpu.memory_space<vmem_shared>> -> memref<32x256xf32, #tpu.memory_space<vmem_shared>>
      tpu.wait_dma2 semaphore(%run_scoped3A : memref<!tpu.dma_semaphore, #tpu.memory_space<semaphore_mem>>) src(%arg17 : memref<32x256xf32, #tpu.memory_space<vmem>>) dst(%dma_wait3A_60 : memref<32x256xf32, #tpu.memory_space<vmem_shared>>)
      tpu.yield
    }) : () -> ()
    %add3A_33 = arith.constant 96 : i32
    %add3A_34 = arith.addi %mul3A_27, %add3A_33 : i32
    "tpu.region"() ({
      %run_scoped3A = tpu.sem_alloc : memref<!tpu.dma_semaphore, #tpu.memory_space<semaphore_mem>>
      %dma_start3A = arith.constant 0 : i32
      %dma_start3A_55 = tpu.memref_slice %arg21[%add3A_34, %dma_start3A] : memref<5120x256xf32, #tpu.memory_space<vmem_shared>> -> memref<32x256xf32, #tpu.memory_space<vmem_shared>>
      %dma_start3A_56 = arith.constant 0 : i32
      %dma_start3A_57 = tpu.memref_slice %arg21[%add3A_34, %dma_start3A_56] : memref<5120x256xf32, #tpu.memory_space<vmem_shared>> -> memref<32x256xf32, #tpu.memory_space<vmem_shared>>
      tpu.enqueue_dma source(%arg17 : memref<32x256xf32, #tpu.memory_space<vmem>>) target(%dma_start3A_57 : memref<32x256xf32, #tpu.memory_space<vmem_shared>>) target_semaphore(%run_scoped3A : memref<!tpu.dma_semaphore, #tpu.memory_space<semaphore_mem>>)
      %dma_wait3A = arith.constant 0 : i32
      %dma_wait3A_58 = tpu.memref_slice %arg21[%add3A_34, %dma_wait3A] : memref<5120x256xf32, #tpu.memory_space<vmem_shared>> -> memref<32x256xf32, #tpu.memory_space<vmem_shared>>
      %dma_wait3A_59 = arith.constant 0 : i32
      %dma_wait3A_60 = tpu.memref_slice %arg21[%add3A_34, %dma_wait3A_59] : memref<5120x256xf32, #tpu.memory_space<vmem_shared>> -> memref<32x256xf32, #tpu.memory_space<vmem_shared>>
      tpu.wait_dma2 semaphore(%run_scoped3A : memref<!tpu.dma_semaphore, #tpu.memory_space<semaphore_mem>>) src(%arg17 : memref<32x256xf32, #tpu.memory_space<vmem>>) dst(%dma_wait3A_60 : memref<32x256xf32, #tpu.memory_space<vmem_shared>>)
      tpu.yield
    }) : () -> ()
    %add3A_35 = arith.constant 128 : i32
    %add3A_36 = arith.addi %mul3A_27, %add3A_35 : i32
    "tpu.region"() ({
      %run_scoped3A = tpu.sem_alloc : memref<!tpu.dma_semaphore, #tpu.memory_space<semaphore_mem>>
      %dma_start3A = arith.constant 0 : i32
      %dma_start3A_55 = tpu.memref_slice %arg21[%add3A_36, %dma_start3A] : memref<5120x256xf32, #tpu.memory_space<vmem_shared>> -> memref<32x256xf32, #tpu.memory_space<vmem_shared>>
      %dma_start3A_56 = arith.constant 0 : i32
      %dma_start3A_57 = tpu.memref_slice %arg21[%add3A_36, %dma_start3A_56] : memref<5120x256xf32, #tpu.memory_space<vmem_shared>> -> memref<32x256xf32, #tpu.memory_space<vmem_shared>>
      tpu.enqueue_dma source(%arg17 : memref<32x256xf32, #tpu.memory_space<vmem>>) target(%dma_start3A_57 : memref<32x256xf32, #tpu.memory_space<vmem_shared>>) target_semaphore(%run_scoped3A : memref<!tpu.dma_semaphore, #tpu.memory_space<semaphore_mem>>)
      %dma_wait3A = arith.constant 0 : i32
      %dma_wait3A_58 = tpu.memref_slice %arg21[%add3A_36, %dma_wait3A] : memref<5120x256xf32, #tpu.memory_space<vmem_shared>> -> memref<32x256xf32, #tpu.memory_space<vmem_shared>>
      %dma_wait3A_59 = arith.constant 0 : i32
      %dma_wait3A_60 = tpu.memref_slice %arg21[%add3A_36, %dma_wait3A_59] : memref<5120x256xf32, #tpu.memory_space<vmem_shared>> -> memref<32x256xf32, #tpu.memory_space<vmem_shared>>
      tpu.wait_dma2 semaphore(%run_scoped3A : memref<!tpu.dma_semaphore, #tpu.memory_space<semaphore_mem>>) src(%arg17 : memref<32x256xf32, #tpu.memory_space<vmem>>) dst(%dma_wait3A_60 : memref<32x256xf32, #tpu.memory_space<vmem_shared>>)
      tpu.yield
    }) : () -> ()
    %add3A_37 = arith.constant 160 : i32
    %add3A_38 = arith.addi %mul3A_27, %add3A_37 : i32
    "tpu.region"() ({
      %run_scoped3A = tpu.sem_alloc : memref<!tpu.dma_semaphore, #tpu.memory_space<semaphore_mem>>
      %dma_start3A = arith.constant 0 : i32
      %dma_start3A_55 = tpu.memref_slice %arg21[%add3A_38, %dma_start3A] : memref<5120x256xf32, #tpu.memory_space<vmem_shared>> -> memref<32x256xf32, #tpu.memory_space<vmem_shared>>
      %dma_start3A_56 = arith.constant 0 : i32
      %dma_start3A_57 = tpu.memref_slice %arg21[%add3A_38, %dma_start3A_56] : memref<5120x256xf32, #tpu.memory_space<vmem_shared>> -> memref<32x256xf32, #tpu.memory_space<vmem_shared>>
      tpu.enqueue_dma source(%arg17 : memref<32x256xf32, #tpu.memory_space<vmem>>) target(%dma_start3A_57 : memref<32x256xf32, #tpu.memory_space<vmem_shared>>) target_semaphore(%run_scoped3A : memref<!tpu.dma_semaphore, #tpu.memory_space<semaphore_mem>>)
      %dma_wait3A = arith.constant 0 : i32
      %dma_wait3A_58 = tpu.memref_slice %arg21[%add3A_38, %dma_wait3A] : memref<5120x256xf32, #tpu.memory_space<vmem_shared>> -> memref<32x256xf32, #tpu.memory_space<vmem_shared>>
      %dma_wait3A_59 = arith.constant 0 : i32
      %dma_wait3A_60 = tpu.memref_slice %arg21[%add3A_38, %dma_wait3A_59] : memref<5120x256xf32, #tpu.memory_space<vmem_shared>> -> memref<32x256xf32, #tpu.memory_space<vmem_shared>>
      tpu.wait_dma2 semaphore(%run_scoped3A : memref<!tpu.dma_semaphore, #tpu.memory_space<semaphore_mem>>) src(%arg17 : memref<32x256xf32, #tpu.memory_space<vmem>>) dst(%dma_wait3A_60 : memref<32x256xf32, #tpu.memory_space<vmem_shared>>)
      tpu.yield
    }) : () -> ()
    %add3A_39 = arith.constant 192 : i32
    %add3A_40 = arith.addi %mul3A_27, %add3A_39 : i32
    "tpu.region"() ({
      %run_scoped3A = tpu.sem_alloc : memref<!tpu.dma_semaphore, #tpu.memory_space<semaphore_mem>>
      %dma_start3A = arith.constant 0 : i32
      %dma_start3A_55 = tpu.memref_slice %arg21[%add3A_40, %dma_start3A] : memref<5120x256xf32, #tpu.memory_space<vmem_shared>> -> memref<32x256xf32, #tpu.memory_space<vmem_shared>>
      %dma_start3A_56 = arith.constant 0 : i32
      %dma_start3A_57 = tpu.memref_slice %arg21[%add3A_40, %dma_start3A_56] : memref<5120x256xf32, #tpu.memory_space<vmem_shared>> -> memref<32x256xf32, #tpu.memory_space<vmem_shared>>
      tpu.enqueue_dma source(%arg17 : memref<32x256xf32, #tpu.memory_space<vmem>>) target(%dma_start3A_57 : memref<32x256xf32, #tpu.memory_space<vmem_shared>>) target_semaphore(%run_scoped3A : memref<!tpu.dma_semaphore, #tpu.memory_space<semaphore_mem>>)
      %dma_wait3A = arith.constant 0 : i32
      %dma_wait3A_58 = tpu.memref_slice %arg21[%add3A_40, %dma_wait3A] : memref<5120x256xf32, #tpu.memory_space<vmem_shared>> -> memref<32x256xf32, #tpu.memory_space<vmem_shared>>
      %dma_wait3A_59 = arith.constant 0 : i32
      %dma_wait3A_60 = tpu.memref_slice %arg21[%add3A_40, %dma_wait3A_59] : memref<5120x256xf32, #tpu.memory_space<vmem_shared>> -> memref<32x256xf32, #tpu.memory_space<vmem_shared>>
      tpu.wait_dma2 semaphore(%run_scoped3A : memref<!tpu.dma_semaphore, #tpu.memory_space<semaphore_mem>>) src(%arg17 : memref<32x256xf32, #tpu.memory_space<vmem>>) dst(%dma_wait3A_60 : memref<32x256xf32, #tpu.memory_space<vmem_shared>>)
      tpu.yield
    }) : () -> ()
    %add3A_41 = arith.constant 224 : i32
    %add3A_42 = arith.addi %mul3A_27, %add3A_41 : i32
    "tpu.region"() ({
      %run_scoped3A = tpu.sem_alloc : memref<!tpu.dma_semaphore, #tpu.memory_space<semaphore_mem>>
      %dma_start3A = arith.constant 0 : i32
      %dma_start3A_55 = tpu.memref_slice %arg21[%add3A_42, %dma_start3A] : memref<5120x256xf32, #tpu.memory_space<vmem_shared>> -> memref<32x256xf32, #tpu.memory_space<vmem_shared>>
      %dma_start3A_56 = arith.constant 0 : i32
      %dma_start3A_57 = tpu.memref_slice %arg21[%add3A_42, %dma_start3A_56] : memref<5120x256xf32, #tpu.memory_space<vmem_shared>> -> memref<32x256xf32, #tpu.memory_space<vmem_shared>>
      tpu.enqueue_dma source(%arg17 : memref<32x256xf32, #tpu.memory_space<vmem>>) target(%dma_start3A_57 : memref<32x256xf32, #tpu.memory_space<vmem_shared>>) target_semaphore(%run_scoped3A : memref<!tpu.dma_semaphore, #tpu.memory_space<semaphore_mem>>)
      %dma_wait3A = arith.constant 0 : i32
      %dma_wait3A_58 = tpu.memref_slice %arg21[%add3A_42, %dma_wait3A] : memref<5120x256xf32, #tpu.memory_space<vmem_shared>> -> memref<32x256xf32, #tpu.memory_space<vmem_shared>>
      %dma_wait3A_59 = arith.constant 0 : i32
      %dma_wait3A_60 = tpu.memref_slice %arg21[%add3A_42, %dma_wait3A_59] : memref<5120x256xf32, #tpu.memory_space<vmem_shared>> -> memref<32x256xf32, #tpu.memory_space<vmem_shared>>
      tpu.wait_dma2 semaphore(%run_scoped3A : memref<!tpu.dma_semaphore, #tpu.memory_space<semaphore_mem>>) src(%arg17 : memref<32x256xf32, #tpu.memory_space<vmem>>) dst(%dma_wait3A_60 : memref<32x256xf32, #tpu.memory_space<vmem_shared>>)
      tpu.yield
    }) : () -> ()
    %add3A_43 = arith.constant 256 : i32
    %add3A_44 = arith.addi %mul3A_27, %add3A_43 : i32
    "tpu.region"() ({
      %run_scoped3A = tpu.sem_alloc : memref<!tpu.dma_semaphore, #tpu.memory_space<semaphore_mem>>
      %dma_start3A = arith.constant 0 : i32
      %dma_start3A_55 = tpu.memref_slice %arg21[%add3A_44, %dma_start3A] : memref<5120x256xf32, #tpu.memory_space<vmem_shared>> -> memref<32x256xf32, #tpu.memory_space<vmem_shared>>
      %dma_start3A_56 = arith.constant 0 : i32
      %dma_start3A_57 = tpu.memref_slice %arg21[%add3A_44, %dma_start3A_56] : memref<5120x256xf32, #tpu.memory_space<vmem_shared>> -> memref<32x256xf32, #tpu.memory_space<vmem_shared>>
      tpu.enqueue_dma source(%arg17 : memref<32x256xf32, #tpu.memory_space<vmem>>) target(%dma_start3A_57 : memref<32x256xf32, #tpu.memory_space<vmem_shared>>) target_semaphore(%run_scoped3A : memref<!tpu.dma_semaphore, #tpu.memory_space<semaphore_mem>>)
      %dma_wait3A = arith.constant 0 : i32
      %dma_wait3A_58 = tpu.memref_slice %arg21[%add3A_44, %dma_wait3A] : memref<5120x256xf32, #tpu.memory_space<vmem_shared>> -> memref<32x256xf32, #tpu.memory_space<vmem_shared>>
      %dma_wait3A_59 = arith.constant 0 : i32
      %dma_wait3A_60 = tpu.memref_slice %arg21[%add3A_44, %dma_wait3A_59] : memref<5120x256xf32, #tpu.memory_space<vmem_shared>> -> memref<32x256xf32, #tpu.memory_space<vmem_shared>>
      tpu.wait_dma2 semaphore(%run_scoped3A : memref<!tpu.dma_semaphore, #tpu.memory_space<semaphore_mem>>) src(%arg17 : memref<32x256xf32, #tpu.memory_space<vmem>>) dst(%dma_wait3A_60 : memref<32x256xf32, #tpu.memory_space<vmem_shared>>)
      tpu.yield
    }) : () -> ()
    %add3A_45 = arith.constant 288 : i32
    %add3A_46 = arith.addi %mul3A_27, %add3A_45 : i32
    "tpu.region"() ({
      %run_scoped3A = tpu.sem_alloc : memref<!tpu.dma_semaphore, #tpu.memory_space<semaphore_mem>>
      %dma_start3A = arith.constant 0 : i32
      %dma_start3A_55 = tpu.memref_slice %arg21[%add3A_46, %dma_start3A] : memref<5120x256xf32, #tpu.memory_space<vmem_shared>> -> memref<32x256xf32, #tpu.memory_space<vmem_shared>>
      %dma_start3A_56 = arith.constant 0 : i32
      %dma_start3A_57 = tpu.memref_slice %arg21[%add3A_46, %dma_start3A_56] : memref<5120x256xf32, #tpu.memory_space<vmem_shared>> -> memref<32x256xf32, #tpu.memory_space<vmem_shared>>
      tpu.enqueue_dma source(%arg17 : memref<32x256xf32, #tpu.memory_space<vmem>>) target(%dma_start3A_57 : memref<32x256xf32, #tpu.memory_space<vmem_shared>>) target_semaphore(%run_scoped3A : memref<!tpu.dma_semaphore, #tpu.memory_space<semaphore_mem>>)
      %dma_wait3A = arith.constant 0 : i32
      %dma_wait3A_58 = tpu.memref_slice %arg21[%add3A_46, %dma_wait3A] : memref<5120x256xf32, #tpu.memory_space<vmem_shared>> -> memref<32x256xf32, #tpu.memory_space<vmem_shared>>
      %dma_wait3A_59 = arith.constant 0 : i32
      %dma_wait3A_60 = tpu.memref_slice %arg21[%add3A_46, %dma_wait3A_59] : memref<5120x256xf32, #tpu.memory_space<vmem_shared>> -> memref<32x256xf32, #tpu.memory_space<vmem_shared>>
      tpu.wait_dma2 semaphore(%run_scoped3A : memref<!tpu.dma_semaphore, #tpu.memory_space<semaphore_mem>>) src(%arg17 : memref<32x256xf32, #tpu.memory_space<vmem>>) dst(%dma_wait3A_60 : memref<32x256xf32, #tpu.memory_space<vmem_shared>>)
      tpu.yield
    }) : () -> ()
    %barrier3A = arith.constant 0 : index
    tpu.barrier barrier_id(%barrier3A)
    %scan3A_47 = arith.constant 0 : i32
    %scan3A_48 = arith.constant 0 : i32
    %scan3A_49 = arith.constant 5 : i32
    %scan3A_50 = arith.addi %scan3A_48, %scan3A_49 : i32
    %scan3A_51 = arith.constant 1 : i32
    %scan3A_52 = scf.for %scan3A_55 = %scan3A_48 to %scan3A_50 step %scan3A_51 iter_args(%scan3A_56 = %scan3A_47) -> (i32)  : i32 {
      %mul3A_57 = arith.constant 10640 : i32
      %mul3A_58 = arith.muli %arg1, %mul3A_57 : i32
      %mul3A_59 = arith.constant 2128 : i32
      %mul3A_60 = arith.muli %scan3A_55, %mul3A_59 : i32
      %add3A_61 = arith.addi %mul3A_58, %mul3A_60 : i32
      "tpu.trace_start"() <{level = 10 : i32, message = "sc_stage"}> : () -> ()
      "tpu.region"() ({
        %run_scoped3A = tpu.sem_alloc : memref<!tpu.dma_semaphore, #tpu.memory_space<semaphore_mem>>
        %dma_start3A = tpu.memref_slice %arg5[%add3A_61] : memref<170240xi32, #tpu.memory_space<hbm>> -> memref<2128xi32, #tpu.memory_space<hbm>>
        %dma_start3A_148 = tpu.memref_slice %arg5[%add3A_61] : memref<170240xi32, #tpu.memory_space<hbm>> -> memref<2128xi32, #tpu.memory_space<hbm>>
        tpu.enqueue_dma source(%dma_start3A_148 : memref<2128xi32, #tpu.memory_space<hbm>>) target(%arg9 : memref<2128xi32, #tpu.memory_space<vmem>>) target_semaphore(%run_scoped3A : memref<!tpu.dma_semaphore, #tpu.memory_space<semaphore_mem>>)
        %dma_wait3A = tpu.memref_slice %arg5[%add3A_61] : memref<170240xi32, #tpu.memory_space<hbm>> -> memref<2128xi32, #tpu.memory_space<hbm>>
        %dma_wait3A_149 = tpu.memref_slice %arg5[%add3A_61] : memref<170240xi32, #tpu.memory_space<hbm>> -> memref<2128xi32, #tpu.memory_space<hbm>>
        tpu.wait_dma2 semaphore(%run_scoped3A : memref<!tpu.dma_semaphore, #tpu.memory_space<semaphore_mem>>) src(%dma_wait3A_149 : memref<2128xi32, #tpu.memory_space<hbm>>) dst(%arg9 : memref<2128xi32, #tpu.memory_space<vmem>>)
        tpu.yield
      }) : () -> ()
      "tpu.region"() ({
        %run_scoped3A = tpu.sem_alloc : memref<!tpu.dma_semaphore, #tpu.memory_space<semaphore_mem>>
        %dma_start3A = tpu.memref_slice %arg6[%add3A_61] : memref<170240xi32, #tpu.memory_space<hbm>> -> memref<2128xi32, #tpu.memory_space<hbm>>
        %dma_start3A_148 = tpu.memref_slice %arg6[%add3A_61] : memref<170240xi32, #tpu.memory_space<hbm>> -> memref<2128xi32, #tpu.memory_space<hbm>>
        tpu.enqueue_dma source(%dma_start3A_148 : memref<2128xi32, #tpu.memory_space<hbm>>) target(%arg10 : memref<2128xi32, #tpu.memory_space<vmem>>) target_semaphore(%run_scoped3A : memref<!tpu.dma_semaphore, #tpu.memory_space<semaphore_mem>>)
        %dma_wait3A = tpu.memref_slice %arg6[%add3A_61] : memref<170240xi32, #tpu.memory_space<hbm>> -> memref<2128xi32, #tpu.memory_space<hbm>>
        %dma_wait3A_149 = tpu.memref_slice %arg6[%add3A_61] : memref<170240xi32, #tpu.memory_space<hbm>> -> memref<2128xi32, #tpu.memory_space<hbm>>
        tpu.wait_dma2 semaphore(%run_scoped3A : memref<!tpu.dma_semaphore, #tpu.memory_space<semaphore_mem>>) src(%dma_wait3A_149 : memref<2128xi32, #tpu.memory_space<hbm>>) dst(%arg10 : memref<2128xi32, #tpu.memory_space<vmem>>)
        tpu.yield
      }) : () -> ()
      "tpu.trace_stop"() : () -> ()
      "tpu.trace_start"() <{level = 10 : i32, message = "sc_init"}> : () -> ()
      %scan3A_62 = arith.constant 0 : i32
      %scan3A_63 = arith.constant 0 : i32
      %scan3A_64 = arith.constant 136 : i32
      %scan3A_65 = arith.addi %scan3A_63, %scan3A_64 : i32
      %scan3A_66 = arith.constant 1 : i32
      %scan3A_67 = scf.for %scan3A_148 = %scan3A_63 to %scan3A_65 step %scan3A_66 iter_args(%scan3A_149 = %scan3A_62) -> (i32)  : i32 {
        %mul3A_150 = arith.constant 16 : i32
        %mul3A_151 = arith.muli %scan3A_148, %mul3A_150 : i32
        %swap3A = arith.index_cast %mul3A_151 : i32 to index
        %swap3A_152 = tpu.vector_load %arg11[%swap3A] {strides = array<i32>} : memref<2176xi32, #tpu.memory_space<vmem>>, vector<16xi32>,
        tpu.vector_store %arg11[%swap3A], %broadcast_in_dim3A_3 {strides = array<i32>} : memref<2176xi32, #tpu.memory_space<vmem>>, vector<16xi32>,
        %mul3A_153 = arith.constant 16 : i32
        %mul3A_154 = arith.muli %scan3A_148, %mul3A_153 : i32
        %swap3A_155 = arith.index_cast %mul3A_154 : i32 to index
        %swap3A_156 = tpu.vector_load %arg12[%swap3A_155] {strides = array<i32>} : memref<2176xi32, #tpu.memory_space<vmem>>, vector<16xi32>,
        tpu.vector_store %arg12[%swap3A_155], %broadcast_in_dim3A_5 {strides = array<i32>} : memref<2176xi32, #tpu.memory_space<vmem>>, vector<16xi32>,
        %scan3A_157 = arith.constant 0 : i32
        scf.yield %scan3A_157 : i32
      }
      %scan3A_68 = arith.constant 136 : i32
      "tpu.trace_stop"() : () -> ()
      "tpu.trace_start"() <{level = 10 : i32, message = "sc_comp"}> : () -> ()
      %scan3A_69 = arith.constant 0 : i32
      %scan3A_70 = arith.constant 0 : i32
      %scan3A_71 = arith.constant 133 : i32
      %scan3A_72 = arith.addi %scan3A_70, %scan3A_71 : i32
      %scan3A_73 = arith.constant 1 : i32
      %scan3A_74 = scf.for %scan3A_148 = %scan3A_70 to %scan3A_72 step %scan3A_73 iter_args(%scan3A_149 = %scan3A_69) -> (i32)  : i32 {
        %mul3A_150 = arith.constant 16 : i32
        %mul3A_151 = arith.muli %scan3A_148, %mul3A_150 : i32
        %get3A = arith.index_cast %mul3A_151 : i32 to index
        %get3A_152 = tpu.vector_load %arg9[%get3A] {strides = array<i32>} : memref<2128xi32, #tpu.memory_space<vmem>>, vector<16xi32>,
        %mul3A_153 = arith.constant 16 : i32
        %mul3A_154 = arith.muli %scan3A_148, %mul3A_153 : i32
        %get3A_155 = arith.index_cast %mul3A_154 : i32 to index
        %get3A_156 = tpu.vector_load %arg10[%get3A_155] {strides = array<i32>} : memref<2128xi32, #tpu.memory_space<vmem>>, vector<16xi32>,
        %ge3A = vector.broadcast %mul3A_0 : i32 to vector<16xi32>
        %ge3A_157 = arith.cmpi sge, %get3A_156, %ge3A : vector<16xi32>
        %add3A_158 = arith.constant 5000 : i32
        %add3A_159 = arith.addi %mul3A_0, %add3A_158 : i32
        %lt3A = vector.broadcast %add3A_159 : i32 to vector<16xi32>
        %lt3A_160 = arith.cmpi slt, %get3A_156, %lt3A : vector<16xi32>
        %and3A_161 = arith.andi %ge3A_157, %lt3A_160 : vector<16xi1>
        %convert_element_type3A = arith.extui %and3A_161 : vector<16xi1> to vector<16xi32>
        %broadcast_in_dim3A_162 = arith.constant true
        %broadcast_in_dim3A_163 = vector.broadcast %broadcast_in_dim3A_162 : i1 to vector<16xi1>
        %masked_cumsum3A = tpu.scan <sum>, %convert_element_type3A masked %broadcast_in_dim3A_163 : vector<16xi32>, vector<16xi1> -> vector<16xi32>
        %add3A_164 = vector.broadcast %scan3A_149 : i32 to vector<16xi32>
        %add3A_165 = arith.addi %add3A_164, %masked_cumsum3A : vector<16xi32>
        %sub3A_166 = arith.constant 1 : i32
        %sub3A_167 = vector.broadcast %sub3A_166 : i32 to vector<16xi32>
        %sub3A_168 = arith.subi %add3A_165, %sub3A_167 : vector<16xi32>
        tpu.vector_store_idx %arg11[%sub3A_168], %get3A_152 masked %and3A_161 : memref<2176xi32, #tpu.memory_space<vmem>>[vector<16xi32>], vector<16xi32>, vector<16xi1>
        %sub3A_169 = vector.broadcast %mul3A_0 : i32 to vector<16xi32>
        %sub3A_170 = arith.subi %get3A_156, %sub3A_169 : vector<16xi32>
        tpu.vector_store_idx %arg12[%sub3A_168], %sub3A_170 masked %and3A_161 : memref<2176xi32, #tpu.memory_space<vmem>>[vector<16xi32>], vector<16xi32>, vector<16xi1>
        %reduce_max3A = arith.constant true
        %reduce_max3A_171 = vector.broadcast %reduce_max3A : i1 to vector<16xi1>
        %reduce_max3A_172 = arith.constant -2147483648 : i32
        %reduce_max3A_173 = vector.broadcast %reduce_max3A_172 : i32 to vector<16xi32>
        %reduce_max3A_174 = arith.xori %sub3A_168, %reduce_max3A_173 : vector<16xi32>
        %reduce_max3A_175 = tpu.scan <max>, %reduce_max3A_174 masked %reduce_max3A_171 : vector<16xi32>, vector<16xi1> -> vector<16xi32>
        %reduce_max3A_176 = arith.xori %reduce_max3A_175, %reduce_max3A_173 : vector<16xi32>
        %reduce_max3A_177 = vector.extract %reduce_max3A_176[15] : i32 from vector<16xi32>
        %add3A_178 = arith.constant 1 : i32
        %add3A_179 = arith.addi %reduce_max3A_177, %add3A_178 : i32
        scf.yield %add3A_179 : i32
      }
      %scan3A_75 = arith.constant 133 : i32
      "tpu.trace_stop"() : () -> ()
      "tpu.trace_start"() <{level = 10 : i32, message = "sc_edge"}> : () -> ()
      %add3A_76 = arith.constant 16 : i32
      %add3A_77 = arith.addi %scan3A_74, %add3A_76 : i32
      %sub3A = arith.constant 1 : i32
      %sub3A_78 = arith.subi %add3A_77, %sub3A : i32
      %jit3A = arith.constant 16 : i32
      %div3A = arith.divsi %sub3A_78, %jit3A : i32
      %sign3A = arith.constant 0 : i32
      %sign3A_79 = arith.cmpi sgt, %sub3A_78, %sign3A : i32
      %sign3A_80 = arith.extui %sign3A_79 : i1 to i32
      %sign3A_81 = arith.constant 0 : i32
      %sign3A_82 = arith.cmpi slt, %sub3A_78, %sign3A_81 : i32
      %sign3A_83 = arith.extui %sign3A_82 : i1 to i32
      %sign3A_84 = arith.subi %sign3A_80, %sign3A_83 : i32
      %sign3A_85 = arith.constant 0 : i32
      %sign3A_86 = arith.cmpi sgt, %jit3A, %sign3A_85 : i32
      %sign3A_87 = arith.extui %sign3A_86 : i1 to i32
      %sign3A_88 = arith.constant 0 : i32
      %sign3A_89 = arith.cmpi slt, %jit3A, %sign3A_88 : i32
      %sign3A_90 = arith.extui %sign3A_89 : i1 to i32
      %sign3A_91 = arith.subi %sign3A_87, %sign3A_90 : i32
      %ne3A = arith.cmpi ne, %sign3A_84, %sign3A_91 : i32
      %rem3A = arith.remsi %sub3A_78, %jit3A : i32
      %ne3A_92 = arith.constant 0 : i32
      %ne3A_93 = arith.cmpi ne, %rem3A, %ne3A_92 : i32
      %and3A = arith.andi %ne3A, %ne3A_93 : i1
      %sub3A_94 = arith.constant 1 : i32
      %sub3A_95 = arith.subi %div3A, %sub3A_94 : i32
      %select_n3A = arith.select %and3A, %sub3A_95, %div3A : i32
      %while3A = arith.constant 0 : i32
      %while3A_96 = arith.constant 0 : i32
      %while3A_97 = arith.subi %select_n3A, %while3A : i32
      %while3A_98 = arith.addi %while3A, %while3A_97 : i32
      %while3A_99 = arith.constant 1 : i32
      %while3A_100 = arith.divsi %while3A_97, %while3A_99 : i32
      %while3A_101 = arith.muli %while3A_100, %while3A_99 : i32
      %while3A_102 = arith.addi %while3A, %while3A_101 : i32
      %while3A_103 = arith.constant 1 : i32
      %while3A_104 = scf.for %while3A_148 = %while3A to %while3A_102 step %while3A_103 iter_args(%while3A_149 = %while3A_96) -> (i32)  : i32 {
        %mul3A_150 = arith.constant 16 : i32
        %mul3A_151 = arith.muli %while3A_148, %mul3A_150 : i32
        %get3A = arith.index_cast %mul3A_151 : i32 to index
        %get3A_152 = tpu.vector_load %arg11[%get3A] {strides = array<i32>} : memref<2176xi32, #tpu.memory_space<vmem>>, vector<16xi32>,
        %mul3A_153 = arith.constant 16 : i32
        %mul3A_154 = arith.muli %while3A_148, %mul3A_153 : i32
        %get3A_155 = arith.index_cast %mul3A_154 : i32 to index
        %get3A_156 = tpu.vector_load %arg12[%get3A_155] {strides = array<i32>} : memref<2176xi32, #tpu.memory_space<vmem>>, vector<16xi32>,
        %gather3A = tpu.vector_load_idx %arg14[%get3A_152] : memref<10000xf32, #tpu.memory_space<vmem>>[vector<16xi32>], vector<16xf32>,
        %gather3A_157 = tpu.vector_load_idx %arg15[%get3A_156] : memref<5120xf32, #tpu.memory_space<vmem>>[vector<16xi32>], vector<16xf32>,
        %add3A_158 = arith.addf %gather3A, %gather3A_157 : vector<16xf32>
        %ge3A = arith.constant 0.000000e+00 : f32
        %ge3A_159 = vector.broadcast %ge3A : f32 to vector<16xf32>
        %ge3A_160 = arith.cmpf oge, %add3A_158, %ge3A_159 : vector<16xf32>
        %mul3A_161 = arith.constant 2.000000e-01 : f32
        %mul3A_162 = vector.broadcast %mul3A_161 : f32 to vector<16xf32>
        %mul3A_163 = arith.mulf %add3A_158, %mul3A_162 : vector<16xf32>
        %select_n3A_164 = arith.select %ge3A_160, %add3A_158, %mul3A_163 : vector<16xi1>, vector<16xf32>
        %exp3A = math.exp %select_n3A_164 : vector<16xf32>
        %mul3A_165 = arith.constant 16 : i32
        %mul3A_166 = arith.muli %while3A_148, %mul3A_165 : i32
        %swap3A = arith.index_cast %mul3A_166 : i32 to index
        %swap3A_167 = tpu.vector_load %arg13[%swap3A] {strides = array<i32>} : memref<2176xf32, #tpu.memory_space<vmem>>, vector<16xf32>,
        tpu.vector_store %arg13[%swap3A], %exp3A {strides = array<i32>} : memref<2176xf32, #tpu.memory_space<vmem>>, vector<16xf32>,
        tpu.vector_store_idx %arg16[%get3A_156], %exp3A {add = true} : memref<5120xf32, #tpu.memory_space<vmem>>[vector<16xi32>], vector<16xf32>,
        %while3A_168 = arith.constant 0 : i32
        scf.yield %while3A_168 : i32
      }
      %while3A_105 = arith.constant 1 : i32
      %while3A_106 = scf.for %while3A_148 = %while3A_102 to %while3A_98 step %while3A_105 iter_args(%while3A_149 = %while3A_104) -> (i32)  : i32 {
        %mul3A_150 = arith.constant 16 : i32
        %mul3A_151 = arith.muli %while3A_148, %mul3A_150 : i32
        %get3A = arith.index_cast %mul3A_151 : i32 to index
        %get3A_152 = tpu.vector_load %arg11[%get3A] {strides = array<i32>} : memref<2176xi32, #tpu.memory_space<vmem>>, vector<16xi32>,
        %mul3A_153 = arith.constant 16 : i32
        %mul3A_154 = arith.muli %while3A_148, %mul3A_153 : i32
        %get3A_155 = arith.index_cast %mul3A_154 : i32 to index
        %get3A_156 = tpu.vector_load %arg12[%get3A_155] {strides = array<i32>} : memref<2176xi32, #tpu.memory_space<vmem>>, vector<16xi32>,
        %gather3A = tpu.vector_load_idx %arg14[%get3A_152] : memref<10000xf32, #tpu.memory_space<vmem>>[vector<16xi32>], vector<16xf32>,
        %gather3A_157 = tpu.vector_load_idx %arg15[%get3A_156] : memref<5120xf32, #tpu.memory_space<vmem>>[vector<16xi32>], vector<16xf32>,
        %add3A_158 = arith.addf %gather3A, %gather3A_157 : vector<16xf32>
        %ge3A = arith.constant 0.000000e+00 : f32
        %ge3A_159 = vector.broadcast %ge3A : f32 to vector<16xf32>
        %ge3A_160 = arith.cmpf oge, %add3A_158, %ge3A_159 : vector<16xf32>
        %mul3A_161 = arith.constant 2.000000e-01 : f32
        %mul3A_162 = vector.broadcast %mul3A_161 : f32 to vector<16xf32>
        %mul3A_163 = arith.mulf %add3A_158, %mul3A_162 : vector<16xf32>
        %select_n3A_164 = arith.select %ge3A_160, %add3A_158, %mul3A_163 : vector<16xi1>, vector<16xf32>
        %exp3A = math.exp %select_n3A_164 : vector<16xf32>
        %mul3A_165 = arith.constant 16 : i32
        %mul3A_166 = arith.muli %while3A_148, %mul3A_165 : i32
        %swap3A = arith.index_cast %mul3A_166 : i32 to index
        %swap3A_167 = tpu.vector_load %arg13[%swap3A] {strides = array<i32>} : memref<2176xf32, #tpu.memory_space<vmem>>, vector<16xf32>,
        tpu.vector_store %arg13[%swap3A], %exp3A {strides = array<i32>} : memref<2176xf32, #tpu.memory_space<vmem>>, vector<16xf32>,
        tpu.vector_store_idx %arg16[%get3A_156], %exp3A {add = true} : memref<5120xf32, #tpu.memory_space<vmem>>[vector<16xi32>], vector<16xf32>,
        %while3A_168 = arith.constant 0 : i32
        scf.yield %while3A_168 : i32
      }
      "tpu.trace_stop"() : () -> ()
      %add3A_107 = arith.constant 64 : i32
      %add3A_108 = arith.addi %scan3A_74, %add3A_107 : i32
      %sub3A_109 = arith.constant 1 : i32
      %sub3A_110 = arith.subi %add3A_108, %sub3A_109 : i32
      %jit3A_111 = arith.constant 64 : i32
      %div3A_112 = arith.divsi %sub3A_110, %jit3A_111 : i32
      %sign3A_113 = arith.constant 0 : i32
      %sign3A_114 = arith.cmpi sgt, %sub3A_110, %sign3A_113 : i32
      %sign3A_115 = arith.extui %sign3A_114 : i1 to i32
      %sign3A_116 = arith.constant 0 : i32
      %sign3A_117 = arith.cmpi slt, %sub3A_110, %sign3A_116 : i32
      %sign3A_118 = arith.extui %sign3A_117 : i1 to i32
      %sign3A_119 = arith.subi %sign3A_115, %sign3A_118 : i32
      %sign3A_120 = arith.constant 0 : i32
      %sign3A_121 = arith.cmpi sgt, %jit3A_111, %sign3A_120 : i32
      %sign3A_122 = arith.extui %sign3A_121 : i1 to i32
      %sign3A_123 = arith.constant 0 : i32
      %sign3A_124 = arith.cmpi slt, %jit3A_111, %sign3A_123 : i32
      %sign3A_125 = arith.extui %sign3A_124 : i1 to i32
      %sign3A_126 = arith.subi %sign3A_122, %sign3A_125 : i32
      %ne3A_127 = arith.cmpi ne, %sign3A_119, %sign3A_126 : i32
      %rem3A_128 = arith.remsi %sub3A_110, %jit3A_111 : i32
      %ne3A_129 = arith.constant 0 : i32
      %ne3A_130 = arith.cmpi ne, %rem3A_128, %ne3A_129 : i32
      %and3A_131 = arith.andi %ne3A_127, %ne3A_130 : i1
      %sub3A_132 = arith.constant 1 : i32
      %sub3A_133 = arith.subi %div3A_112, %sub3A_132 : i32
      %select_n3A_134 = arith.select %and3A_131, %sub3A_133, %div3A_112 : i32
      %while3A_135 = arith.constant 0 : i32
      %while3A_136 = arith.constant 0 : i32
      "tpu.trace_start"() <{level = 10 : i32, message = "sc_heavy"}> : () -> ()
      %while3A_137 = arith.subi %select_n3A_134, %while3A_135 : i32
      %while3A_138 = arith.addi %while3A_135, %while3A_137 : i32
      %while3A_139 = arith.constant 1 : i32
      %while3A_140 = arith.divsi %while3A_137, %while3A_139 : i32
      %while3A_141 = arith.muli %while3A_140, %while3A_139 : i32
      %while3A_142 = arith.addi %while3A_135, %while3A_141 : i32
      %while3A_143 = arith.constant 1 : i32
      %while3A_144 = scf.for %while3A_148 = %while3A_135 to %while3A_142 step %while3A_143 iter_args(%while3A_149 = %while3A_136) -> (i32)  : i32 {
        %mul3A_150 = arith.constant 2 : i32
        %mul3A_151 = arith.muli %while3A_148, %mul3A_150 : i32
        %add3A_152 = arith.constant 0 : i32
        %add3A_153 = arith.addi %mul3A_151, %add3A_152 : i32
        %mul3A_154 = arith.constant 32 : i32
        %mul3A_155 = arith.muli %add3A_153, %mul3A_154 : i32
        %dma_start3A = tpu.memref_slice %arg11[%mul3A_155] : memref<2176xi32, #tpu.memory_space<vmem>> -> memref<32xi32, #tpu.memory_space<vmem>>
        %dma_start3A_156 = arith.constant 0 : i32
        %dma_start3A_157 = arith.constant 0 : i32
        %dma_start3A_158 = tpu.memref_slice %arg2[%dma_start3A_156, %dma_start3A_157] : memref<10000x256xf32, #tpu.memory_space<hbm>> -> memref<10000x256xf32, #tpu.memory_space<hbm>>
        tpu.enqueue_indirect_dma source(%dma_start3A_158 : memref<10000x256xf32, #tpu.memory_space<hbm>>) target(%arg17 : memref<32x256xf32, #tpu.memory_space<vmem>>) offsets(%dma_start3A : memref<32xi32, #tpu.memory_space<vmem>>) semaphore(%arg22 : memref<!tpu.dma_semaphore, #tpu.memory_space<semaphore_mem>>)
        %mul3A_159 = arith.constant 2 : i32
        %mul3A_160 = arith.muli %while3A_148, %mul3A_159 : i32
        %add3A_161 = arith.constant 1 : i32
        %add3A_162 = arith.addi %mul3A_160, %add3A_161 : i32
        %mul3A_163 = arith.constant 32 : i32
        %mul3A_164 = arith.muli %add3A_162, %mul3A_163 : i32
        %dma_start3A_165 = tpu.memref_slice %arg11[%mul3A_164] : memref<2176xi32, #tpu.memory_space<vmem>> -> memref<32xi32, #tpu.memory_space<vmem>>
        %dma_start3A_166 = arith.constant 0 : i32
        %dma_start3A_167 = arith.constant 0 : i32
        %dma_start3A_168 = tpu.memref_slice %arg2[%dma_start3A_166, %dma_start3A_167] : memref<10000x256xf32, #tpu.memory_space<hbm>> -> memref<10000x256xf32, #tpu.memory_space<hbm>>
        tpu.enqueue_indirect_dma source(%dma_start3A_168 : memref<10000x256xf32, #tpu.memory_space<hbm>>) target(%arg18 : memref<32x256xf32, #tpu.memory_space<vmem>>) offsets(%dma_start3A_165 : memref<32xi32, #tpu.memory_space<vmem>>) semaphore(%arg23 : memref<!tpu.dma_semaphore, #tpu.memory_space<semaphore_mem>>)
        %mul3A_169 = arith.constant 2 : i32
        %mul3A_170 = arith.muli %while3A_148, %mul3A_169 : i32
        %add3A_171 = arith.constant 0 : i32
        %add3A_172 = arith.addi %mul3A_170, %add3A_171 : i32
        "tpu.trace_start"() <{level = 10 : i32, message = "hv_wait"}> : () -> ()
        %dma_wait3A = tpu.memref_slice %arg11[%mul3A_155] : memref<2176xi32, #tpu.memory_space<vmem>> -> memref<32xi32, #tpu.memory_space<vmem>>
        %dma_wait3A_173 = arith.constant 0 : i32
        %dma_wait3A_174 = arith.constant 0 : i32
        %dma_wait3A_175 = tpu.memref_slice %arg2[%dma_wait3A_173, %dma_wait3A_174] : memref<10000x256xf32, #tpu.memory_space<hbm>> -> memref<10000x256xf32, #tpu.memory_space<hbm>>
        tpu.wait_indirect_dma semaphore(%arg22 : memref<!tpu.dma_semaphore, #tpu.memory_space<semaphore_mem>>) src(%dma_wait3A_175 : memref<10000x256xf32, #tpu.memory_space<hbm>>) dst(%arg17 : memref<32x256xf32, #tpu.memory_space<vmem>>)
        %parallel_loop3A = arith.constant 0 : i32
        %parallel_loop3A_176 = arith.constant 32 : i32
        %parallel_loop3A_177 = arith.constant 1 : i32
        "tpu.trace_stop"() : () -> ()
        "tpu.trace_start"() <{level = 10 : i32, message = "hv_scale"}> : () -> ()
        scf.for %parallel_loop3A_220 = %parallel_loop3A to %parallel_loop3A_176 step %parallel_loop3A_177  : i32 {
          %parallel_loop3A_221 = arith.constant 32 : i32
          %parallel_loop3A_222 = arith.muli %add3A_172, %parallel_loop3A_221 : i32
          %parallel_loop3A_223 = arith.addi %parallel_loop3A_222, %parallel_loop3A_220 : i32
          %parallel_loop3A_224 = vector.broadcast %parallel_loop3A_223 : i32 to vector<16xi32>
          %parallel_loop3A_225 = tpu.vector_load_idx %arg13[%parallel_loop3A_224] : memref<2176xf32, #tpu.memory_space<vmem>>[vector<16xi32>], vector<16xf32>,
          %parallel_loop3A_226 = arith.index_cast %parallel_loop3A_220 : i32 to index
          %parallel_loop3A_227 = arith.constant 0 : index
          %parallel_loop3A_228 = tpu.vector_load %arg17[%parallel_loop3A_226, %parallel_loop3A_227] {strides = array<i32>} : memref<32x256xf32, #tpu.memory_space<vmem>>, vector<16xf32>,
          %parallel_loop3A_229 = arith.mulf %parallel_loop3A_228, %parallel_loop3A_225 : vector<16xf32>
          %parallel_loop3A_230 = arith.index_cast %parallel_loop3A_220 : i32 to index
          %parallel_loop3A_231 = arith.constant 0 : index
          %parallel_loop3A_232 = tpu.vector_load %arg17[%parallel_loop3A_230, %parallel_loop3A_231] {strides = array<i32>} : memref<32x256xf32, #tpu.memory_space<vmem>>, vector<16xf32>,
          tpu.vector_store %arg17[%parallel_loop3A_230, %parallel_loop3A_231], %parallel_loop3A_229 {strides = array<i32>} : memref<32x256xf32, #tpu.memory_space<vmem>>, vector<16xf32>,
          %parallel_loop3A_233 = arith.index_cast %parallel_loop3A_220 : i32 to index
          %parallel_loop3A_234 = arith.constant 16 : index
          %parallel_loop3A_235 = tpu.vector_load %arg17[%parallel_loop3A_233, %parallel_loop3A_234] {strides = array<i32>} : memref<32x256xf32, #tpu.memory_space<vmem>>, vector<16xf32>,
          %parallel_loop3A_236 = arith.mulf %parallel_loop3A_235, %parallel_loop3A_225 : vector<16xf32>
          %parallel_loop3A_237 = arith.index_cast %parallel_loop3A_220 : i32 to index
          %parallel_loop3A_238 = arith.constant 16 : index
          %parallel_loop3A_239 = tpu.vector_load %arg17[%parallel_loop3A_237, %parallel_loop3A_238] {strides = array<i32>} : memref<32x256xf32, #tpu.memory_space<vmem>>, vector<16xf32>,
          tpu.vector_store %arg17[%parallel_loop3A_237, %parallel_loop3A_238], %parallel_loop3A_236 {strides = array<i32>} : memref<32x256xf32, #tpu.memory_space<vmem>>, vector<16xf32>,
          %parallel_loop3A_240 = arith.index_cast %parallel_loop3A_220 : i32 to index
          %parallel_loop3A_241 = arith.constant 32 : index
          %parallel_loop3A_242 = tpu.vector_load %arg17[%parallel_loop3A_240, %parallel_loop3A_241] {strides = array<i32>} : memref<32x256xf32, #tpu.memory_space<vmem>>, vector<16xf32>,
          %parallel_loop3A_243 = arith.mulf %parallel_loop3A_242, %parallel_loop3A_225 : vector<16xf32>
          %parallel_loop3A_244 = arith.index_cast %parallel_loop3A_220 : i32 to index
          %parallel_loop3A_245 = arith.constant 32 : index
          %parallel_loop3A_246 = tpu.vector_load %arg17[%parallel_loop3A_244, %parallel_loop3A_245] {strides = array<i32>} : memref<32x256xf32, #tpu.memory_space<vmem>>, vector<16xf32>,
          tpu.vector_store %arg17[%parallel_loop3A_244, %parallel_loop3A_245], %parallel_loop3A_243 {strides = array<i32>} : memref<32x256xf32, #tpu.memory_space<vmem>>, vector<16xf32>,
          %parallel_loop3A_247 = arith.index_cast %parallel_loop3A_220 : i32 to index
          %parallel_loop3A_248 = arith.constant 48 : index
          %parallel_loop3A_249 = tpu.vector_load %arg17[%parallel_loop3A_247, %parallel_loop3A_248] {strides = array<i32>} : memref<32x256xf32, #tpu.memory_space<vmem>>, vector<16xf32>,
          %parallel_loop3A_250 = arith.mulf %parallel_loop3A_249, %parallel_loop3A_225 : vector<16xf32>
          %parallel_loop3A_251 = arith.index_cast %parallel_loop3A_220 : i32 to index
          %parallel_loop3A_252 = arith.constant 48 : index
          %parallel_loop3A_253 = tpu.vector_load %arg17[%parallel_loop3A_251, %parallel_loop3A_252] {strides = array<i32>} : memref<32x256xf32, #tpu.memory_space<vmem>>, vector<16xf32>,
          tpu.vector_store %arg17[%parallel_loop3A_251, %parallel_loop3A_252], %parallel_loop3A_250 {strides = array<i32>} : memref<32x256xf32, #tpu.memory_space<vmem>>, vector<16xf32>,
          %parallel_loop3A_254 = arith.index_cast %parallel_loop3A_220 : i32 to index
          %parallel_loop3A_255 = arith.constant 64 : index
          %parallel_loop3A_256 = tpu.vector_load %arg17[%parallel_loop3A_254, %parallel_loop3A_255] {strides = array<i32>} : memref<32x256xf32, #tpu.memory_space<vmem>>, vector<16xf32>,
          %parallel_loop3A_257 = arith.mulf %parallel_loop3A_256, %parallel_loop3A_225 : vector<16xf32>
          %parallel_loop3A_258 = arith.index_cast %parallel_loop3A_220 : i32 to index
          %parallel_loop3A_259 = arith.constant 64 : index
          %parallel_loop3A_260 = tpu.vector_load %arg17[%parallel_loop3A_258, %parallel_loop3A_259] {strides = array<i32>} : memref<32x256xf32, #tpu.memory_space<vmem>>, vector<16xf32>,
          tpu.vector_store %arg17[%parallel_loop3A_258, %parallel_loop3A_259], %parallel_loop3A_257 {strides = array<i32>} : memref<32x256xf32, #tpu.memory_space<vmem>>, vector<16xf32>,
          %parallel_loop3A_261 = arith.index_cast %parallel_loop3A_220 : i32 to index
          %parallel_loop3A_262 = arith.constant 80 : index
          %parallel_loop3A_263 = tpu.vector_load %arg17[%parallel_loop3A_261, %parallel_loop3A_262] {strides = array<i32>} : memref<32x256xf32, #tpu.memory_space<vmem>>, vector<16xf32>,
          %parallel_loop3A_264 = arith.mulf %parallel_loop3A_263, %parallel_loop3A_225 : vector<16xf32>
          %parallel_loop3A_265 = arith.index_cast %parallel_loop3A_220 : i32 to index
          %parallel_loop3A_266 = arith.constant 80 : index
          %parallel_loop3A_267 = tpu.vector_load %arg17[%parallel_loop3A_265, %parallel_loop3A_266] {strides = array<i32>} : memref<32x256xf32, #tpu.memory_space<vmem>>, vector<16xf32>,
          tpu.vector_store %arg17[%parallel_loop3A_265, %parallel_loop3A_266], %parallel_loop3A_264 {strides = array<i32>} : memref<32x256xf32, #tpu.memory_space<vmem>>, vector<16xf32>,
          %parallel_loop3A_268 = arith.index_cast %parallel_loop3A_220 : i32 to index
          %parallel_loop3A_269 = arith.constant 96 : index
          %parallel_loop3A_270 = tpu.vector_load %arg17[%parallel_loop3A_268, %parallel_loop3A_269] {strides = array<i32>} : memref<32x256xf32, #tpu.memory_space<vmem>>, vector<16xf32>,
          %parallel_loop3A_271 = arith.mulf %parallel_loop3A_270, %parallel_loop3A_225 : vector<16xf32>
          %parallel_loop3A_272 = arith.index_cast %parallel_loop3A_220 : i32 to index
          %parallel_loop3A_273 = arith.constant 96 : index
          %parallel_loop3A_274 = tpu.vector_load %arg17[%parallel_loop3A_272, %parallel_loop3A_273] {strides = array<i32>} : memref<32x256xf32, #tpu.memory_space<vmem>>, vector<16xf32>,
          tpu.vector_store %arg17[%parallel_loop3A_272, %parallel_loop3A_273], %parallel_loop3A_271 {strides = array<i32>} : memref<32x256xf32, #tpu.memory_space<vmem>>, vector<16xf32>,
          %parallel_loop3A_275 = arith.index_cast %parallel_loop3A_220 : i32 to index
          %parallel_loop3A_276 = arith.constant 112 : index
          %parallel_loop3A_277 = tpu.vector_load %arg17[%parallel_loop3A_275, %parallel_loop3A_276] {strides = array<i32>} : memref<32x256xf32, #tpu.memory_space<vmem>>, vector<16xf32>,
          %parallel_loop3A_278 = arith.mulf %parallel_loop3A_277, %parallel_loop3A_225 : vector<16xf32>
          %parallel_loop3A_279 = arith.index_cast %parallel_loop3A_220 : i32 to index
          %parallel_loop3A_280 = arith.constant 112 : index
          %parallel_loop3A_281 = tpu.vector_load %arg17[%parallel_loop3A_279, %parallel_loop3A_280] {strides = array<i32>} : memref<32x256xf32, #tpu.memory_space<vmem>>, vector<16xf32>,
          tpu.vector_store %arg17[%parallel_loop3A_279, %parallel_loop3A_280], %parallel_loop3A_278 {strides = array<i32>} : memref<32x256xf32, #tpu.memory_space<vmem>>, vector<16xf32>,
          %parallel_loop3A_282 = arith.index_cast %parallel_loop3A_220 : i32 to index
          %parallel_loop3A_283 = arith.constant 128 : index
          %parallel_loop3A_284 = tpu.vector_load %arg17[%parallel_loop3A_282, %parallel_loop3A_283] {strides = array<i32>} : memref<32x256xf32, #tpu.memory_space<vmem>>, vector<16xf32>,
          %parallel_loop3A_285 = arith.mulf %parallel_loop3A_284, %parallel_loop3A_225 : vector<16xf32>
          %parallel_loop3A_286 = arith.index_cast %parallel_loop3A_220 : i32 to index
          %parallel_loop3A_287 = arith.constant 128 : index
          %parallel_loop3A_288 = tpu.vector_load %arg17[%parallel_loop3A_286, %parallel_loop3A_287] {strides = array<i32>} : memref<32x256xf32, #tpu.memory_space<vmem>>, vector<16xf32>,
          tpu.vector_store %arg17[%parallel_loop3A_286, %parallel_loop3A_287], %parallel_loop3A_285 {strides = array<i32>} : memref<32x256xf32, #tpu.memory_space<vmem>>, vector<16xf32>,
          %parallel_loop3A_289 = arith.index_cast %parallel_loop3A_220 : i32 to index
          %parallel_loop3A_290 = arith.constant 144 : index
          %parallel_loop3A_291 = tpu.vector_load %arg17[%parallel_loop3A_289, %parallel_loop3A_290] {strides = array<i32>} : memref<32x256xf32, #tpu.memory_space<vmem>>, vector<16xf32>,
          %parallel_loop3A_292 = arith.mulf %parallel_loop3A_291, %parallel_loop3A_225 : vector<16xf32>
          %parallel_loop3A_293 = arith.index_cast %parallel_loop3A_220 : i32 to index
          %parallel_loop3A_294 = arith.constant 144 : index
          %parallel_loop3A_295 = tpu.vector_load %arg17[%parallel_loop3A_293, %parallel_loop3A_294] {strides = array<i32>} : memref<32x256xf32, #tpu.memory_space<vmem>>, vector<16xf32>,
          tpu.vector_store %arg17[%parallel_loop3A_293, %parallel_loop3A_294], %parallel_loop3A_292 {strides = array<i32>} : memref<32x256xf32, #tpu.memory_space<vmem>>, vector<16xf32>,
          %parallel_loop3A_296 = arith.index_cast %parallel_loop3A_220 : i32 to index
          %parallel_loop3A_297 = arith.constant 160 : index
          %parallel_loop3A_298 = tpu.vector_load %arg17[%parallel_loop3A_296, %parallel_loop3A_297] {strides = array<i32>} : memref<32x256xf32, #tpu.memory_space<vmem>>, vector<16xf32>,
          %parallel_loop3A_299 = arith.mulf %parallel_loop3A_298, %parallel_loop3A_225 : vector<16xf32>
          %parallel_loop3A_300 = arith.index_cast %parallel_loop3A_220 : i32 to index
          %parallel_loop3A_301 = arith.constant 160 : index
          %parallel_loop3A_302 = tpu.vector_load %arg17[%parallel_loop3A_300, %parallel_loop3A_301] {strides = array<i32>} : memref<32x256xf32, #tpu.memory_space<vmem>>, vector<16xf32>,
          tpu.vector_store %arg17[%parallel_loop3A_300, %parallel_loop3A_301], %parallel_loop3A_299 {strides = array<i32>} : memref<32x256xf32, #tpu.memory_space<vmem>>, vector<16xf32>,
          %parallel_loop3A_303 = arith.index_cast %parallel_loop3A_220 : i32 to index
          %parallel_loop3A_304 = arith.constant 176 : index
          %parallel_loop3A_305 = tpu.vector_load %arg17[%parallel_loop3A_303, %parallel_loop3A_304] {strides = array<i32>} : memref<32x256xf32, #tpu.memory_space<vmem>>, vector<16xf32>,
          %parallel_loop3A_306 = arith.mulf %parallel_loop3A_305, %parallel_loop3A_225 : vector<16xf32>
          %parallel_loop3A_307 = arith.index_cast %parallel_loop3A_220 : i32 to index
          %parallel_loop3A_308 = arith.constant 176 : index
          %parallel_loop3A_309 = tpu.vector_load %arg17[%parallel_loop3A_307, %parallel_loop3A_308] {strides = array<i32>} : memref<32x256xf32, #tpu.memory_space<vmem>>, vector<16xf32>,
          tpu.vector_store %arg17[%parallel_loop3A_307, %parallel_loop3A_308], %parallel_loop3A_306 {strides = array<i32>} : memref<32x256xf32, #tpu.memory_space<vmem>>, vector<16xf32>,
          %parallel_loop3A_310 = arith.index_cast %parallel_loop3A_220 : i32 to index
          %parallel_loop3A_311 = arith.constant 192 : index
          %parallel_loop3A_312 = tpu.vector_load %arg17[%parallel_loop3A_310, %parallel_loop3A_311] {strides = array<i32>} : memref<32x256xf32, #tpu.memory_space<vmem>>, vector<16xf32>,
          %parallel_loop3A_313 = arith.mulf %parallel_loop3A_312, %parallel_loop3A_225 : vector<16xf32>
          %parallel_loop3A_314 = arith.index_cast %parallel_loop3A_220 : i32 to index
          %parallel_loop3A_315 = arith.constant 192 : index
          %parallel_loop3A_316 = tpu.vector_load %arg17[%parallel_loop3A_314, %parallel_loop3A_315] {strides = array<i32>} : memref<32x256xf32, #tpu.memory_space<vmem>>, vector<16xf32>,
          tpu.vector_store %arg17[%parallel_loop3A_314, %parallel_loop3A_315], %parallel_loop3A_313 {strides = array<i32>} : memref<32x256xf32, #tpu.memory_space<vmem>>, vector<16xf32>,
          %parallel_loop3A_317 = arith.index_cast %parallel_loop3A_220 : i32 to index
          %parallel_loop3A_318 = arith.constant 208 : index
          %parallel_loop3A_319 = tpu.vector_load %arg17[%parallel_loop3A_317, %parallel_loop3A_318] {strides = array<i32>} : memref<32x256xf32, #tpu.memory_space<vmem>>, vector<16xf32>,
          %parallel_loop3A_320 = arith.mulf %parallel_loop3A_319, %parallel_loop3A_225 : vector<16xf32>
          %parallel_loop3A_321 = arith.index_cast %parallel_loop3A_220 : i32 to index
          %parallel_loop3A_322 = arith.constant 208 : index
          %parallel_loop3A_323 = tpu.vector_load %arg17[%parallel_loop3A_321, %parallel_loop3A_322] {strides = array<i32>} : memref<32x256xf32, #tpu.memory_space<vmem>>, vector<16xf32>,
          tpu.vector_store %arg17[%parallel_loop3A_321, %parallel_loop3A_322], %parallel_loop3A_320 {strides = array<i32>} : memref<32x256xf32, #tpu.memory_space<vmem>>, vector<16xf32>,
          %parallel_loop3A_324 = arith.index_cast %parallel_loop3A_220 : i32 to index
          %parallel_loop3A_325 = arith.constant 224 : index
          %parallel_loop3A_326 = tpu.vector_load %arg17[%parallel_loop3A_324, %parallel_loop3A_325] {strides = array<i32>} : memref<32x256xf32, #tpu.memory_space<vmem>>, vector<16xf32>,
          %parallel_loop3A_327 = arith.mulf %parallel_loop3A_326, %parallel_loop3A_225 : vector<16xf32>
          %parallel_loop3A_328 = arith.index_cast %parallel_loop3A_220 : i32 to index
          %parallel_loop3A_329 = arith.constant 224 : index
          %parallel_loop3A_330 = tpu.vector_load %arg17[%parallel_loop3A_328, %parallel_loop3A_329] {strides = array<i32>} : memref<32x256xf32, #tpu.memory_space<vmem>>, vector<16xf32>,
          tpu.vector_store %arg17[%parallel_loop3A_328, %parallel_loop3A_329], %parallel_loop3A_327 {strides = array<i32>} : memref<32x256xf32, #tpu.memory_space<vmem>>, vector<16xf32>,
          %parallel_loop3A_331 = arith.index_cast %parallel_loop3A_220 : i32 to index
          %parallel_loop3A_332 = arith.constant 240 : index
          %parallel_loop3A_333 = tpu.vector_load %arg17[%parallel_loop3A_331, %parallel_loop3A_332] {strides = array<i32>} : memref<32x256xf32, #tpu.memory_space<vmem>>, vector<16xf32>,
          %parallel_loop3A_334 = arith.mulf %parallel_loop3A_333, %parallel_loop3A_225 : vector<16xf32>
          %parallel_loop3A_335 = arith.index_cast %parallel_loop3A_220 : i32 to index
          %parallel_loop3A_336 = arith.constant 240 : index
          %parallel_loop3A_337 = tpu.vector_load %arg17[%parallel_loop3A_335, %parallel_loop3A_336] {strides = array<i32>} : memref<32x256xf32, #tpu.memory_space<vmem>>, vector<16xf32>,
          tpu.vector_store %arg17[%parallel_loop3A_335, %parallel_loop3A_336], %parallel_loop3A_334 {strides = array<i32>} : memref<32x256xf32, #tpu.memory_space<vmem>>, vector<16xf32>,
        } {sc.loop_unroll_factor = 1 : i64, sc.parallel_access}
        %mul3A_178 = arith.constant 32 : i32
        %mul3A_179 = arith.muli %add3A_172, %mul3A_178 : i32
        %add3A_180 = arith.constant 0 : i32
        %add3A_181 = arith.addi %mul3A_179, %add3A_180 : i32
        %get3A = arith.index_cast %add3A_181 : i32 to index
        %get3A_182 = tpu.vector_load %arg12[%get3A] {strides = array<i32>} : memref<2176xi32, #tpu.memory_space<vmem>>, vector<16xi32>,
        %swap3A = arith.constant 0 : index
        %swap3A_183 = tpu.vector_load %arg19[%swap3A] {strides = array<i32>} : memref<32xi32, #tpu.memory_space<vmem>>, vector<16xi32>,
        tpu.vector_store %arg19[%swap3A], %get3A_182 {strides = array<i32>} : memref<32xi32, #tpu.memory_space<vmem>>, vector<16xi32>,
        %mul3A_184 = arith.constant 32 : i32
        %mul3A_185 = arith.muli %add3A_172, %mul3A_184 : i32
        %add3A_186 = arith.constant 16 : i32
        %add3A_187 = arith.addi %mul3A_185, %add3A_186 : i32
        %get3A_188 = arith.index_cast %add3A_187 : i32 to index
        %get3A_189 = tpu.vector_load %arg12[%get3A_188] {strides = array<i32>} : memref<2176xi32, #tpu.memory_space<vmem>>, vector<16xi32>,
        %swap3A_190 = arith.constant 16 : index
        %swap3A_191 = tpu.vector_load %arg19[%swap3A_190] {strides = array<i32>} : memref<32xi32, #tpu.memory_space<vmem>>, vector<16xi32>,
        tpu.vector_store %arg19[%swap3A_190], %get3A_189 {strides = array<i32>} : memref<32xi32, #tpu.memory_space<vmem>>, vector<16xi32>,
        "tpu.trace_stop"() : () -> ()
        "tpu.trace_start"() <{level = 10 : i32, message = "hv_scatter"}> : () -> ()
        "tpu.region"() ({
          %run_scoped3A = tpu.sem_alloc : memref<!tpu.dma_semaphore, #tpu.memory_space<semaphore_mem>>
          %dma_start3A_220 = arith.constant 0 : i32
          %dma_start3A_221 = arith.constant 0 : i32
          %dma_start3A_222 = tpu.memref_slice %arg21[%dma_start3A_220, %dma_start3A_221] : memref<5120x256xf32, #tpu.memory_space<vmem_shared>> -> memref<5120x256xf32, #tpu.memory_space<vmem_shared>>
          tpu.enqueue_indirect_dma source(%arg17 : memref<32x256xf32, #tpu.memory_space<vmem>>) target(%dma_start3A_222 : memref<5120x256xf32, #tpu.memory_space<vmem_shared>>) offsets(%arg19 : memref<32xi32, #tpu.memory_space<vmem>>) semaphore(%run_scoped3A : memref<!tpu.dma_semaphore, #tpu.memory_space<semaphore_mem>>) {add = true}
          %dma_wait3A_223 = arith.constant 0 : i32
          %dma_wait3A_224 = arith.constant 0 : i32
          %dma_wait3A_225 = tpu.memref_slice %arg21[%dma_wait3A_223, %dma_wait3A_224] : memref<5120x256xf32, #tpu.memory_space<vmem_shared>> -> memref<5120x256xf32, #tpu.memory_space<vmem_shared>>
          tpu.wait_indirect_dma semaphore(%run_scoped3A : memref<!tpu.dma_semaphore, #tpu.memory_space<semaphore_mem>>) src(%arg17 : memref<32x256xf32, #tpu.memory_space<vmem>>) dst(%dma_wait3A_225 : memref<5120x256xf32, #tpu.memory_space<vmem_shared>>)
          tpu.yield
        }) : () -> ()
        "tpu.trace_stop"() : () -> ()
        %mul3A_192 = arith.constant 2 : i32
        %mul3A_193 = arith.muli %while3A_148, %mul3A_192 : i32
        %add3A_194 = arith.constant 1 : i32
        %add3A_195 = arith.addi %mul3A_193, %add3A_194 : i32
        "tpu.trace_start"() <{level = 10 : i32, message = "hv_wait"}> : () -> ()
        %dma_wait3A_196 = tpu.memref_slice %arg11[%mul3A_164] : memref<2176xi32, #tpu.memory_space<vmem>> -> memref<32xi32, #tpu.memory_space<vmem>>
        %dma_wait3A_197 = arith.constant 0 : i32
        %dma_wait3A_198 = arith.constant 0 : i32
        %dma_wait3A_199 = tpu.memref_slice %arg2[%dma_wait3A_197, %dma_wait3A_198] : memref<10000x256xf32, #tpu.memory_space<hbm>> -> memref<10000x256xf32, #tpu.memory_space<hbm>>
        tpu.wait_indirect_dma semaphore(%arg23 : memref<!tpu.dma_semaphore, #tpu.memory_space<semaphore_mem>>) src(%dma_wait3A_199 : memref<10000x256xf32, #tpu.memory_space<hbm>>) dst(%arg18 : memref<32x256xf32, #tpu.memory_space<vmem>>)
        %parallel_loop3A_200 = arith.constant 0 : i32
        %parallel_loop3A_201 = arith.constant 32 : i32
        %parallel_loop3A_202 = arith.constant 1 : i32
        "tpu.trace_stop"() : () -> ()
        "tpu.trace_start"() <{level = 10 : i32, message = "hv_scale"}> : () -> ()
        scf.for %parallel_loop3A_220 = %parallel_loop3A_200 to %parallel_loop3A_201 step %parallel_loop3A_202  : i32 {
          %parallel_loop3A_221 = arith.constant 32 : i32
          %parallel_loop3A_222 = arith.muli %add3A_195, %parallel_loop3A_221 : i32
          %parallel_loop3A_223 = arith.addi %parallel_loop3A_222, %parallel_loop3A_220 : i32
          %parallel_loop3A_224 = vector.broadcast %parallel_loop3A_223 : i32 to vector<16xi32>
          %parallel_loop3A_225 = tpu.vector_load_idx %arg13[%parallel_loop3A_224] : memref<2176xf32, #tpu.memory_space<vmem>>[vector<16xi32>], vector<16xf32>,
          %parallel_loop3A_226 = arith.index_cast %parallel_loop3A_220 : i32 to index
          %parallel_loop3A_227 = arith.constant 0 : index
          %parallel_loop3A_228 = tpu.vector_load %arg18[%parallel_loop3A_226, %parallel_loop3A_227] {strides = array<i32>} : memref<32x256xf32, #tpu.memory_space<vmem>>, vector<16xf32>,
          %parallel_loop3A_229 = arith.mulf %parallel_loop3A_228, %parallel_loop3A_225 : vector<16xf32>
          %parallel_loop3A_230 = arith.index_cast %parallel_loop3A_220 : i32 to index
          %parallel_loop3A_231 = arith.constant 0 : index
          %parallel_loop3A_232 = tpu.vector_load %arg18[%parallel_loop3A_230, %parallel_loop3A_231] {strides = array<i32>} : memref<32x256xf32, #tpu.memory_space<vmem>>, vector<16xf32>,
          tpu.vector_store %arg18[%parallel_loop3A_230, %parallel_loop3A_231], %parallel_loop3A_229 {strides = array<i32>} : memref<32x256xf32, #tpu.memory_space<vmem>>, vector<16xf32>,
          %parallel_loop3A_233 = arith.index_cast %parallel_loop3A_220 : i32 to index
          %parallel_loop3A_234 = arith.constant 16 : index
          %parallel_loop3A_235 = tpu.vector_load %arg18[%parallel_loop3A_233, %parallel_loop3A_234] {strides = array<i32>} : memref<32x256xf32, #tpu.memory_space<vmem>>, vector<16xf32>,
          %parallel_loop3A_236 = arith.mulf %parallel_loop3A_235, %parallel_loop3A_225 : vector<16xf32>
          %parallel_loop3A_237 = arith.index_cast %parallel_loop3A_220 : i32 to index
          %parallel_loop3A_238 = arith.constant 16 : index
          %parallel_loop3A_239 = tpu.vector_load %arg18[%parallel_loop3A_237, %parallel_loop3A_238] {strides = array<i32>} : memref<32x256xf32, #tpu.memory_space<vmem>>, vector<16xf32>,
          tpu.vector_store %arg18[%parallel_loop3A_237, %parallel_loop3A_238], %parallel_loop3A_236 {strides = array<i32>} : memref<32x256xf32, #tpu.memory_space<vmem>>, vector<16xf32>,
          %parallel_loop3A_240 = arith.index_cast %parallel_loop3A_220 : i32 to index
          %parallel_loop3A_241 = arith.constant 32 : index
          %parallel_loop3A_242 = tpu.vector_load %arg18[%parallel_loop3A_240, %parallel_loop3A_241] {strides = array<i32>} : memref<32x256xf32, #tpu.memory_space<vmem>>, vector<16xf32>,
          %parallel_loop3A_243 = arith.mulf %parallel_loop3A_242, %parallel_loop3A_225 : vector<16xf32>
          %parallel_loop3A_244 = arith.index_cast %parallel_loop3A_220 : i32 to index
          %parallel_loop3A_245 = arith.constant 32 : index
          %parallel_loop3A_246 = tpu.vector_load %arg18[%parallel_loop3A_244, %parallel_loop3A_245] {strides = array<i32>} : memref<32x256xf32, #tpu.memory_space<vmem>>, vector<16xf32>,
          tpu.vector_store %arg18[%parallel_loop3A_244, %parallel_loop3A_245], %parallel_loop3A_243 {strides = array<i32>} : memref<32x256xf32, #tpu.memory_space<vmem>>, vector<16xf32>,
          %parallel_loop3A_247 = arith.index_cast %parallel_loop3A_220 : i32 to index
          %parallel_loop3A_248 = arith.constant 48 : index
          %parallel_loop3A_249 = tpu.vector_load %arg18[%parallel_loop3A_247, %parallel_loop3A_248] {strides = array<i32>} : memref<32x256xf32, #tpu.memory_space<vmem>>, vector<16xf32>,
          %parallel_loop3A_250 = arith.mulf %parallel_loop3A_249, %parallel_loop3A_225 : vector<16xf32>
          %parallel_loop3A_251 = arith.index_cast %parallel_loop3A_220 : i32 to index
          %parallel_loop3A_252 = arith.constant 48 : index
          %parallel_loop3A_253 = tpu.vector_load %arg18[%parallel_loop3A_251, %parallel_loop3A_252] {strides = array<i32>} : memref<32x256xf32, #tpu.memory_space<vmem>>, vector<16xf32>,
          tpu.vector_store %arg18[%parallel_loop3A_251, %parallel_loop3A_252], %parallel_loop3A_250 {strides = array<i32>} : memref<32x256xf32, #tpu.memory_space<vmem>>, vector<16xf32>,
          %parallel_loop3A_254 = arith.index_cast %parallel_loop3A_220 : i32 to index
          %parallel_loop3A_255 = arith.constant 64 : index
          %parallel_loop3A_256 = tpu.vector_load %arg18[%parallel_loop3A_254, %parallel_loop3A_255] {strides = array<i32>} : memref<32x256xf32, #tpu.memory_space<vmem>>, vector<16xf32>,
          %parallel_loop3A_257 = arith.mulf %parallel_loop3A_256, %parallel_loop3A_225 : vector<16xf32>
          %parallel_loop3A_258 = arith.index_cast %parallel_loop3A_220 : i32 to index
          %parallel_loop3A_259 = arith.constant 64 : index
          %parallel_loop3A_260 = tpu.vector_load %arg18[%parallel_loop3A_258, %parallel_loop3A_259] {strides = array<i32>} : memref<32x256xf32, #tpu.memory_space<vmem>>, vector<16xf32>,
          tpu.vector_store %arg18[%parallel_loop3A_258, %parallel_loop3A_259], %parallel_loop3A_257 {strides = array<i32>} : memref<32x256xf32, #tpu.memory_space<vmem>>, vector<16xf32>,
          %parallel_loop3A_261 = arith.index_cast %parallel_loop3A_220 : i32 to index
          %parallel_loop3A_262 = arith.constant 80 : index
          %parallel_loop3A_263 = tpu.vector_load %arg18[%parallel_loop3A_261, %parallel_loop3A_262] {strides = array<i32>} : memref<32x256xf32, #tpu.memory_space<vmem>>, vector<16xf32>,
          %parallel_loop3A_264 = arith.mulf %parallel_loop3A_263, %parallel_loop3A_225 : vector<16xf32>
          %parallel_loop3A_265 = arith.index_cast %parallel_loop3A_220 : i32 to index
          %parallel_loop3A_266 = arith.constant 80 : index
          %parallel_loop3A_267 = tpu.vector_load %arg18[%parallel_loop3A_265, %parallel_loop3A_266] {strides = array<i32>} : memref<32x256xf32, #tpu.memory_space<vmem>>, vector<16xf32>,
          tpu.vector_store %arg18[%parallel_loop3A_265, %parallel_loop3A_266], %parallel_loop3A_264 {strides = array<i32>} : memref<32x256xf32, #tpu.memory_space<vmem>>, vector<16xf32>,
          %parallel_loop3A_268 = arith.index_cast %parallel_loop3A_220 : i32 to index
          %parallel_loop3A_269 = arith.constant 96 : index
          %parallel_loop3A_270 = tpu.vector_load %arg18[%parallel_loop3A_268, %parallel_loop3A_269] {strides = array<i32>} : memref<32x256xf32, #tpu.memory_space<vmem>>, vector<16xf32>,
          %parallel_loop3A_271 = arith.mulf %parallel_loop3A_270, %parallel_loop3A_225 : vector<16xf32>
          %parallel_loop3A_272 = arith.index_cast %parallel_loop3A_220 : i32 to index
          %parallel_loop3A_273 = arith.constant 96 : index
          %parallel_loop3A_274 = tpu.vector_load %arg18[%parallel_loop3A_272, %parallel_loop3A_273] {strides = array<i32>} : memref<32x256xf32, #tpu.memory_space<vmem>>, vector<16xf32>,
          tpu.vector_store %arg18[%parallel_loop3A_272, %parallel_loop3A_273], %parallel_loop3A_271 {strides = array<i32>} : memref<32x256xf32, #tpu.memory_space<vmem>>, vector<16xf32>,
          %parallel_loop3A_275 = arith.index_cast %parallel_loop3A_220 : i32 to index
          %parallel_loop3A_276 = arith.constant 112 : index
          %parallel_loop3A_277 = tpu.vector_load %arg18[%parallel_loop3A_275, %parallel_loop3A_276] {strides = array<i32>} : memref<32x256xf32, #tpu.memory_space<vmem>>, vector<16xf32>,
          %parallel_loop3A_278 = arith.mulf %parallel_loop3A_277, %parallel_loop3A_225 : vector<16xf32>
          %parallel_loop3A_279 = arith.index_cast %parallel_loop3A_220 : i32 to index
          %parallel_loop3A_280 = arith.constant 112 : index
          %parallel_loop3A_281 = tpu.vector_load %arg18[%parallel_loop3A_279, %parallel_loop3A_280] {strides = array<i32>} : memref<32x256xf32, #tpu.memory_space<vmem>>, vector<16xf32>,
          tpu.vector_store %arg18[%parallel_loop3A_279, %parallel_loop3A_280], %parallel_loop3A_278 {strides = array<i32>} : memref<32x256xf32, #tpu.memory_space<vmem>>, vector<16xf32>,
          %parallel_loop3A_282 = arith.index_cast %parallel_loop3A_220 : i32 to index
          %parallel_loop3A_283 = arith.constant 128 : index
          %parallel_loop3A_284 = tpu.vector_load %arg18[%parallel_loop3A_282, %parallel_loop3A_283] {strides = array<i32>} : memref<32x256xf32, #tpu.memory_space<vmem>>, vector<16xf32>,
          %parallel_loop3A_285 = arith.mulf %parallel_loop3A_284, %parallel_loop3A_225 : vector<16xf32>
          %parallel_loop3A_286 = arith.index_cast %parallel_loop3A_220 : i32 to index
          %parallel_loop3A_287 = arith.constant 128 : index
          %parallel_loop3A_288 = tpu.vector_load %arg18[%parallel_loop3A_286, %parallel_loop3A_287] {strides = array<i32>} : memref<32x256xf32, #tpu.memory_space<vmem>>, vector<16xf32>,
          tpu.vector_store %arg18[%parallel_loop3A_286, %parallel_loop3A_287], %parallel_loop3A_285 {strides = array<i32>} : memref<32x256xf32, #tpu.memory_space<vmem>>, vector<16xf32>,
          %parallel_loop3A_289 = arith.index_cast %parallel_loop3A_220 : i32 to index
          %parallel_loop3A_290 = arith.constant 144 : index
          %parallel_loop3A_291 = tpu.vector_load %arg18[%parallel_loop3A_289, %parallel_loop3A_290] {strides = array<i32>} : memref<32x256xf32, #tpu.memory_space<vmem>>, vector<16xf32>,
          %parallel_loop3A_292 = arith.mulf %parallel_loop3A_291, %parallel_loop3A_225 : vector<16xf32>
          %parallel_loop3A_293 = arith.index_cast %parallel_loop3A_220 : i32 to index
          %parallel_loop3A_294 = arith.constant 144 : index
          %parallel_loop3A_295 = tpu.vector_load %arg18[%parallel_loop3A_293, %parallel_loop3A_294] {strides = array<i32>} : memref<32x256xf32, #tpu.memory_space<vmem>>, vector<16xf32>,
          tpu.vector_store %arg18[%parallel_loop3A_293, %parallel_loop3A_294], %parallel_loop3A_292 {strides = array<i32>} : memref<32x256xf32, #tpu.memory_space<vmem>>, vector<16xf32>,
          %parallel_loop3A_296 = arith.index_cast %parallel_loop3A_220 : i32 to index
          %parallel_loop3A_297 = arith.constant 160 : index
          %parallel_loop3A_298 = tpu.vector_load %arg18[%parallel_loop3A_296, %parallel_loop3A_297] {strides = array<i32>} : memref<32x256xf32, #tpu.memory_space<vmem>>, vector<16xf32>,
          %parallel_loop3A_299 = arith.mulf %parallel_loop3A_298, %parallel_loop3A_225 : vector<16xf32>
          %parallel_loop3A_300 = arith.index_cast %parallel_loop3A_220 : i32 to index
          %parallel_loop3A_301 = arith.constant 160 : index
          %parallel_loop3A_302 = tpu.vector_load %arg18[%parallel_loop3A_300, %parallel_loop3A_301] {strides = array<i32>} : memref<32x256xf32, #tpu.memory_space<vmem>>, vector<16xf32>,
          tpu.vector_store %arg18[%parallel_loop3A_300, %parallel_loop3A_301], %parallel_loop3A_299 {strides = array<i32>} : memref<32x256xf32, #tpu.memory_space<vmem>>, vector<16xf32>,
          %parallel_loop3A_303 = arith.index_cast %parallel_loop3A_220 : i32 to index
          %parallel_loop3A_304 = arith.constant 176 : index
          %parallel_loop3A_305 = tpu.vector_load %arg18[%parallel_loop3A_303, %parallel_loop3A_304] {strides = array<i32>} : memref<32x256xf32, #tpu.memory_space<vmem>>, vector<16xf32>,
          %parallel_loop3A_306 = arith.mulf %parallel_loop3A_305, %parallel_loop3A_225 : vector<16xf32>
          %parallel_loop3A_307 = arith.index_cast %parallel_loop3A_220 : i32 to index
          %parallel_loop3A_308 = arith.constant 176 : index
          %parallel_loop3A_309 = tpu.vector_load %arg18[%parallel_loop3A_307, %parallel_loop3A_308] {strides = array<i32>} : memref<32x256xf32, #tpu.memory_space<vmem>>, vector<16xf32>,
          tpu.vector_store %arg18[%parallel_loop3A_307, %parallel_loop3A_308], %parallel_loop3A_306 {strides = array<i32>} : memref<32x256xf32, #tpu.memory_space<vmem>>, vector<16xf32>,
          %parallel_loop3A_310 = arith.index_cast %parallel_loop3A_220 : i32 to index
          %parallel_loop3A_311 = arith.constant 192 : index
          %parallel_loop3A_312 = tpu.vector_load %arg18[%parallel_loop3A_310, %parallel_loop3A_311] {strides = array<i32>} : memref<32x256xf32, #tpu.memory_space<vmem>>, vector<16xf32>,
          %parallel_loop3A_313 = arith.mulf %parallel_loop3A_312, %parallel_loop3A_225 : vector<16xf32>
          %parallel_loop3A_314 = arith.index_cast %parallel_loop3A_220 : i32 to index
          %parallel_loop3A_315 = arith.constant 192 : index
          %parallel_loop3A_316 = tpu.vector_load %arg18[%parallel_loop3A_314, %parallel_loop3A_315] {strides = array<i32>} : memref<32x256xf32, #tpu.memory_space<vmem>>, vector<16xf32>,
          tpu.vector_store %arg18[%parallel_loop3A_314, %parallel_loop3A_315], %parallel_loop3A_313 {strides = array<i32>} : memref<32x256xf32, #tpu.memory_space<vmem>>, vector<16xf32>,
          %parallel_loop3A_317 = arith.index_cast %parallel_loop3A_220 : i32 to index
          %parallel_loop3A_318 = arith.constant 208 : index
          %parallel_loop3A_319 = tpu.vector_load %arg18[%parallel_loop3A_317, %parallel_loop3A_318] {strides = array<i32>} : memref<32x256xf32, #tpu.memory_space<vmem>>, vector<16xf32>,
          %parallel_loop3A_320 = arith.mulf %parallel_loop3A_319, %parallel_loop3A_225 : vector<16xf32>
          %parallel_loop3A_321 = arith.index_cast %parallel_loop3A_220 : i32 to index
          %parallel_loop3A_322 = arith.constant 208 : index
          %parallel_loop3A_323 = tpu.vector_load %arg18[%parallel_loop3A_321, %parallel_loop3A_322] {strides = array<i32>} : memref<32x256xf32, #tpu.memory_space<vmem>>, vector<16xf32>,
          tpu.vector_store %arg18[%parallel_loop3A_321, %parallel_loop3A_322], %parallel_loop3A_320 {strides = array<i32>} : memref<32x256xf32, #tpu.memory_space<vmem>>, vector<16xf32>,
          %parallel_loop3A_324 = arith.index_cast %parallel_loop3A_220 : i32 to index
          %parallel_loop3A_325 = arith.constant 224 : index
          %parallel_loop3A_326 = tpu.vector_load %arg18[%parallel_loop3A_324, %parallel_loop3A_325] {strides = array<i32>} : memref<32x256xf32, #tpu.memory_space<vmem>>, vector<16xf32>,
          %parallel_loop3A_327 = arith.mulf %parallel_loop3A_326, %parallel_loop3A_225 : vector<16xf32>
          %parallel_loop3A_328 = arith.index_cast %parallel_loop3A_220 : i32 to index
          %parallel_loop3A_329 = arith.constant 224 : index
          %parallel_loop3A_330 = tpu.vector_load %arg18[%parallel_loop3A_328, %parallel_loop3A_329] {strides = array<i32>} : memref<32x256xf32, #tpu.memory_space<vmem>>, vector<16xf32>,
          tpu.vector_store %arg18[%parallel_loop3A_328, %parallel_loop3A_329], %parallel_loop3A_327 {strides = array<i32>} : memref<32x256xf32, #tpu.memory_space<vmem>>, vector<16xf32>,
          %parallel_loop3A_331 = arith.index_cast %parallel_loop3A_220 : i32 to index
          %parallel_loop3A_332 = arith.constant 240 : index
          %parallel_loop3A_333 = tpu.vector_load %arg18[%parallel_loop3A_331, %parallel_loop3A_332] {strides = array<i32>} : memref<32x256xf32, #tpu.memory_space<vmem>>, vector<16xf32>,
          %parallel_loop3A_334 = arith.mulf %parallel_loop3A_333, %parallel_loop3A_225 : vector<16xf32>
          %parallel_loop3A_335 = arith.index_cast %parallel_loop3A_220 : i32 to index
          %parallel_loop3A_336 = arith.constant 240 : index
          %parallel_loop3A_337 = tpu.vector_load %arg18[%parallel_loop3A_335, %parallel_loop3A_336] {strides = array<i32>} : memref<32x256xf32, #tpu.memory_space<vmem>>, vector<16xf32>,
          tpu.vector_store %arg18[%parallel_loop3A_335, %parallel_loop3A_336], %parallel_loop3A_334 {strides = array<i32>} : memref<32x256xf32, #tpu.memory_space<vmem>>, vector<16xf32>,
        } {sc.loop_unroll_factor = 1 : i64, sc.parallel_access}
        %mul3A_203 = arith.constant 32 : i32
        %mul3A_204 = arith.muli %add3A_195, %mul3A_203 : i32
        %add3A_205 = arith.constant 0 : i32
        %add3A_206 = arith.addi %mul3A_204, %add3A_205 : i32
        %get3A_207 = arith.index_cast %add3A_206 : i32 to index
        %get3A_208 = tpu.vector_load %arg12[%get3A_207] {strides = array<i32>} : memref<2176xi32, #tpu.memory_space<vmem>>, vector<16xi32>,
        %swap3A_209 = arith.constant 0 : index
        %swap3A_210 = tpu.vector_load %arg20[%swap3A_209] {strides = array<i32>} : memref<32xi32, #tpu.memory_space<vmem>>, vector<16xi32>,
        tpu.vector_store %arg20[%swap3A_209], %get3A_208 {strides = array<i32>} : memref<32xi32, #tpu.memory_space<vmem>>, vector<16xi32>,
        %mul3A_211 = arith.constant 32 : i32
        %mul3A_212 = arith.muli %add3A_195, %mul3A_211 : i32
        %add3A_213 = arith.constant 16 : i32
        %add3A_214 = arith.addi %mul3A_212, %add3A_213 : i32
        %get3A_215 = arith.index_cast %add3A_214 : i32 to index
        %get3A_216 = tpu.vector_load %arg12[%get3A_215] {strides = array<i32>} : memref<2176xi32, #tpu.memory_space<vmem>>, vector<16xi32>,
        %swap3A_217 = arith.constant 16 : index
        %swap3A_218 = tpu.vector_load %arg20[%swap3A_217] {strides = array<i32>} : memref<32xi32, #tpu.memory_space<vmem>>, vector<16xi32>,
        tpu.vector_store %arg20[%swap3A_217], %get3A_216 {strides = array<i32>} : memref<32xi32, #tpu.memory_space<vmem>>, vector<16xi32>,
        "tpu.trace_stop"() : () -> ()
        "tpu.trace_start"() <{level = 10 : i32, message = "hv_scatter"}> : () -> ()
        "tpu.region"() ({
          %run_scoped3A = tpu.sem_alloc : memref<!tpu.dma_semaphore, #tpu.memory_space<semaphore_mem>>
          %dma_start3A_220 = arith.constant 0 : i32
          %dma_start3A_221 = arith.constant 0 : i32
          %dma_start3A_222 = tpu.memref_slice %arg21[%dma_start3A_220, %dma_start3A_221] : memref<5120x256xf32, #tpu.memory_space<vmem_shared>> -> memref<5120x256xf32, #tpu.memory_space<vmem_shared>>
          tpu.enqueue_indirect_dma source(%arg18 : memref<32x256xf32, #tpu.memory_space<vmem>>) target(%dma_start3A_222 : memref<5120x256xf32, #tpu.memory_space<vmem_shared>>) offsets(%arg20 : memref<32xi32, #tpu.memory_space<vmem>>) semaphore(%run_scoped3A : memref<!tpu.dma_semaphore, #tpu.memory_space<semaphore_mem>>) {add = true}
          %dma_wait3A_223 = arith.constant 0 : i32
          %dma_wait3A_224 = arith.constant 0 : i32
          %dma_wait3A_225 = tpu.memref_slice %arg21[%dma_wait3A_223, %dma_wait3A_224] : memref<5120x256xf32, #tpu.memory_space<vmem_shared>> -> memref<5120x256xf32, #tpu.memory_space<vmem_shared>>
          tpu.wait_indirect_dma semaphore(%run_scoped3A : memref<!tpu.dma_semaphore, #tpu.memory_space<semaphore_mem>>) src(%arg18 : memref<32x256xf32, #tpu.memory_space<vmem>>) dst(%dma_wait3A_225 : memref<5120x256xf32, #tpu.memory_space<vmem_shared>>)
          tpu.yield
        }) : () -> ()
        "tpu.trace_stop"() : () -> ()
        %while3A_219 = arith.constant 0 : i32
        scf.yield %while3A_219 : i32
      }
      %while3A_145 = arith.constant 1 : i32
      %while3A_146 = scf.for %while3A_148 = %while3A_142 to %while3A_138 step %while3A_145 iter_args(%while3A_149 = %while3A_144) -> (i32)  : i32 {
        %mul3A_150 = arith.constant 2 : i32
        %mul3A_151 = arith.muli %while3A_148, %mul3A_150 : i32
        %add3A_152 = arith.constant 0 : i32
        %add3A_153 = arith.addi %mul3A_151, %add3A_152 : i32
        %mul3A_154 = arith.constant 32 : i32
        %mul3A_155 = arith.muli %add3A_153, %mul3A_154 : i32
        %dma_start3A = tpu.memref_slice %arg11[%mul3A_155] : memref<2176xi32, #tpu.memory_space<vmem>> -> memref<32xi32, #tpu.memory_space<vmem>>
        %dma_start3A_156 = arith.constant 0 : i32
        %dma_start3A_157 = arith.constant 0 : i32
        %dma_start3A_158 = tpu.memref_slice %arg2[%dma_start3A_156, %dma_start3A_157] : memref<10000x256xf32, #tpu.memory_space<hbm>> -> memref<10000x256xf32, #tpu.memory_space<hbm>>
        tpu.enqueue_indirect_dma source(%dma_start3A_158 : memref<10000x256xf32, #tpu.memory_space<hbm>>) target(%arg17 : memref<32x256xf32, #tpu.memory_space<vmem>>) offsets(%dma_start3A : memref<32xi32, #tpu.memory_space<vmem>>) semaphore(%arg22 : memref<!tpu.dma_semaphore, #tpu.memory_space<semaphore_mem>>)
        %mul3A_159 = arith.constant 2 : i32
        %mul3A_160 = arith.muli %while3A_148, %mul3A_159 : i32
        %add3A_161 = arith.constant 1 : i32
        %add3A_162 = arith.addi %mul3A_160, %add3A_161 : i32
        %mul3A_163 = arith.constant 32 : i32
        %mul3A_164 = arith.muli %add3A_162, %mul3A_163 : i32
        %dma_start3A_165 = tpu.memref_slice %arg11[%mul3A_164] : memref<2176xi32, #tpu.memory_space<vmem>> -> memref<32xi32, #tpu.memory_space<vmem>>
        %dma_start3A_166 = arith.constant 0 : i32
        %dma_start3A_167 = arith.constant 0 : i32
        %dma_start3A_168 = tpu.memref_slice %arg2[%dma_start3A_166, %dma_start3A_167] : memref<10000x256xf32, #tpu.memory_space<hbm>> -> memref<10000x256xf32, #tpu.memory_space<hbm>>
        tpu.enqueue_indirect_dma source(%dma_start3A_168 : memref<10000x256xf32, #tpu.memory_space<hbm>>) target(%arg18 : memref<32x256xf32, #tpu.memory_space<vmem>>) offsets(%dma_start3A_165 : memref<32xi32, #tpu.memory_space<vmem>>) semaphore(%arg23 : memref<!tpu.dma_semaphore, #tpu.memory_space<semaphore_mem>>)
        %mul3A_169 = arith.constant 2 : i32
        %mul3A_170 = arith.muli %while3A_148, %mul3A_169 : i32
        %add3A_171 = arith.constant 0 : i32
        %add3A_172 = arith.addi %mul3A_170, %add3A_171 : i32
        "tpu.trace_start"() <{level = 10 : i32, message = "hv_wait"}> : () -> ()
        %dma_wait3A = tpu.memref_slice %arg11[%mul3A_155] : memref<2176xi32, #tpu.memory_space<vmem>> -> memref<32xi32, #tpu.memory_space<vmem>>
        %dma_wait3A_173 = arith.constant 0 : i32
        %dma_wait3A_174 = arith.constant 0 : i32
        %dma_wait3A_175 = tpu.memref_slice %arg2[%dma_wait3A_173, %dma_wait3A_174] : memref<10000x256xf32, #tpu.memory_space<hbm>> -> memref<10000x256xf32, #tpu.memory_space<hbm>>
        tpu.wait_indirect_dma semaphore(%arg22 : memref<!tpu.dma_semaphore, #tpu.memory_space<semaphore_mem>>) src(%dma_wait3A_175 : memref<10000x256xf32, #tpu.memory_space<hbm>>) dst(%arg17 : memref<32x256xf32, #tpu.memory_space<vmem>>)
        %parallel_loop3A = arith.constant 0 : i32
        %parallel_loop3A_176 = arith.constant 32 : i32
        %parallel_loop3A_177 = arith.constant 1 : i32
        "tpu.trace_stop"() : () -> ()
        "tpu.trace_start"() <{level = 10 : i32, message = "hv_scale"}> : () -> ()
        scf.for %parallel_loop3A_220 = %parallel_loop3A to %parallel_loop3A_176 step %parallel_loop3A_177  : i32 {
          %parallel_loop3A_221 = arith.constant 32 : i32
          %parallel_loop3A_222 = arith.muli %add3A_172, %parallel_loop3A_221 : i32
          %parallel_loop3A_223 = arith.addi %parallel_loop3A_222, %parallel_loop3A_220 : i32
          %parallel_loop3A_224 = vector.broadcast %parallel_loop3A_223 : i32 to vector<16xi32>
          %parallel_loop3A_225 = tpu.vector_load_idx %arg13[%parallel_loop3A_224] : memref<2176xf32, #tpu.memory_space<vmem>>[vector<16xi32>], vector<16xf32>,
          %parallel_loop3A_226 = arith.index_cast %parallel_loop3A_220 : i32 to index
          %parallel_loop3A_227 = arith.constant 0 : index
          %parallel_loop3A_228 = tpu.vector_load %arg17[%parallel_loop3A_226, %parallel_loop3A_227] {strides = array<i32>} : memref<32x256xf32, #tpu.memory_space<vmem>>, vector<16xf32>,
          %parallel_loop3A_229 = arith.mulf %parallel_loop3A_228, %parallel_loop3A_225 : vector<16xf32>
          %parallel_loop3A_230 = arith.index_cast %parallel_loop3A_220 : i32 to index
          %parallel_loop3A_231 = arith.constant 0 : index
          %parallel_loop3A_232 = tpu.vector_load %arg17[%parallel_loop3A_230, %parallel_loop3A_231] {strides = array<i32>} : memref<32x256xf32, #tpu.memory_space<vmem>>, vector<16xf32>,
          tpu.vector_store %arg17[%parallel_loop3A_230, %parallel_loop3A_231], %parallel_loop3A_229 {strides = array<i32>} : memref<32x256xf32, #tpu.memory_space<vmem>>, vector<16xf32>,
          %parallel_loop3A_233 = arith.index_cast %parallel_loop3A_220 : i32 to index
          %parallel_loop3A_234 = arith.constant 16 : index
          %parallel_loop3A_235 = tpu.vector_load %arg17[%parallel_loop3A_233, %parallel_loop3A_234] {strides = array<i32>} : memref<32x256xf32, #tpu.memory_space<vmem>>, vector<16xf32>,
          %parallel_loop3A_236 = arith.mulf %parallel_loop3A_235, %parallel_loop3A_225 : vector<16xf32>
          %parallel_loop3A_237 = arith.index_cast %parallel_loop3A_220 : i32 to index
          %parallel_loop3A_238 = arith.constant 16 : index
          %parallel_loop3A_239 = tpu.vector_load %arg17[%parallel_loop3A_237, %parallel_loop3A_238] {strides = array<i32>} : memref<32x256xf32, #tpu.memory_space<vmem>>, vector<16xf32>,
          tpu.vector_store %arg17[%parallel_loop3A_237, %parallel_loop3A_238], %parallel_loop3A_236 {strides = array<i32>} : memref<32x256xf32, #tpu.memory_space<vmem>>, vector<16xf32>,
          %parallel_loop3A_240 = arith.index_cast %parallel_loop3A_220 : i32 to index
          %parallel_loop3A_241 = arith.constant 32 : index
          %parallel_loop3A_242 = tpu.vector_load %arg17[%parallel_loop3A_240, %parallel_loop3A_241] {strides = array<i32>} : memref<32x256xf32, #tpu.memory_space<vmem>>, vector<16xf32>,
          %parallel_loop3A_243 = arith.mulf %parallel_loop3A_242, %parallel_loop3A_225 : vector<16xf32>
          %parallel_loop3A_244 = arith.index_cast %parallel_loop3A_220 : i32 to index
          %parallel_loop3A_245 = arith.constant 32 : index
          %parallel_loop3A_246 = tpu.vector_load %arg17[%parallel_loop3A_244, %parallel_loop3A_245] {strides = array<i32>} : memref<32x256xf32, #tpu.memory_space<vmem>>, vector<16xf32>,
          tpu.vector_store %arg17[%parallel_loop3A_244, %parallel_loop3A_245], %parallel_loop3A_243 {strides = array<i32>} : memref<32x256xf32, #tpu.memory_space<vmem>>, vector<16xf32>,
          %parallel_loop3A_247 = arith.index_cast %parallel_loop3A_220 : i32 to index
          %parallel_loop3A_248 = arith.constant 48 : index
          %parallel_loop3A_249 = tpu.vector_load %arg17[%parallel_loop3A_247, %parallel_loop3A_248] {strides = array<i32>} : memref<32x256xf32, #tpu.memory_space<vmem>>, vector<16xf32>,
          %parallel_loop3A_250 = arith.mulf %parallel_loop3A_249, %parallel_loop3A_225 : vector<16xf32>
          %parallel_loop3A_251 = arith.index_cast %parallel_loop3A_220 : i32 to index
          %parallel_loop3A_252 = arith.constant 48 : index
          %parallel_loop3A_253 = tpu.vector_load %arg17[%parallel_loop3A_251, %parallel_loop3A_252] {strides = array<i32>} : memref<32x256xf32, #tpu.memory_space<vmem>>, vector<16xf32>,
          tpu.vector_store %arg17[%parallel_loop3A_251, %parallel_loop3A_252], %parallel_loop3A_250 {strides = array<i32>} : memref<32x256xf32, #tpu.memory_space<vmem>>, vector<16xf32>,
          %parallel_loop3A_254 = arith.index_cast %parallel_loop3A_220 : i32 to index
          %parallel_loop3A_255 = arith.constant 64 : index
          %parallel_loop3A_256 = tpu.vector_load %arg17[%parallel_loop3A_254, %parallel_loop3A_255] {strides = array<i32>} : memref<32x256xf32, #tpu.memory_space<vmem>>, vector<16xf32>,
          %parallel_loop3A_257 = arith.mulf %parallel_loop3A_256, %parallel_loop3A_225 : vector<16xf32>
          %parallel_loop3A_258 = arith.index_cast %parallel_loop3A_220 : i32 to index
          %parallel_loop3A_259 = arith.constant 64 : index
          %parallel_loop3A_260 = tpu.vector_load %arg17[%parallel_loop3A_258, %parallel_loop3A_259] {strides = array<i32>} : memref<32x256xf32, #tpu.memory_space<vmem>>, vector<16xf32>,
          tpu.vector_store %arg17[%parallel_loop3A_258, %parallel_loop3A_259], %parallel_loop3A_257 {strides = array<i32>} : memref<32x256xf32, #tpu.memory_space<vmem>>, vector<16xf32>,
          %parallel_loop3A_261 = arith.index_cast %parallel_loop3A_220 : i32 to index
          %parallel_loop3A_262 = arith.constant 80 : index
          %parallel_loop3A_263 = tpu.vector_load %arg17[%parallel_loop3A_261, %parallel_loop3A_262] {strides = array<i32>} : memref<32x256xf32, #tpu.memory_space<vmem>>, vector<16xf32>,
          %parallel_loop3A_264 = arith.mulf %parallel_loop3A_263, %parallel_loop3A_225 : vector<16xf32>
          %parallel_loop3A_265 = arith.index_cast %parallel_loop3A_220 : i32 to index
          %parallel_loop3A_266 = arith.constant 80 : index
          %parallel_loop3A_267 = tpu.vector_load %arg17[%parallel_loop3A_265, %parallel_loop3A_266] {strides = array<i32>} : memref<32x256xf32, #tpu.memory_space<vmem>>, vector<16xf32>,
          tpu.vector_store %arg17[%parallel_loop3A_265, %parallel_loop3A_266], %parallel_loop3A_264 {strides = array<i32>} : memref<32x256xf32, #tpu.memory_space<vmem>>, vector<16xf32>,
          %parallel_loop3A_268 = arith.index_cast %parallel_loop3A_220 : i32 to index
          %parallel_loop3A_269 = arith.constant 96 : index
          %parallel_loop3A_270 = tpu.vector_load %arg17[%parallel_loop3A_268, %parallel_loop3A_269] {strides = array<i32>} : memref<32x256xf32, #tpu.memory_space<vmem>>, vector<16xf32>,
          %parallel_loop3A_271 = arith.mulf %parallel_loop3A_270, %parallel_loop3A_225 : vector<16xf32>
          %parallel_loop3A_272 = arith.index_cast %parallel_loop3A_220 : i32 to index
          %parallel_loop3A_273 = arith.constant 96 : index
          %parallel_loop3A_274 = tpu.vector_load %arg17[%parallel_loop3A_272, %parallel_loop3A_273] {strides = array<i32>} : memref<32x256xf32, #tpu.memory_space<vmem>>, vector<16xf32>,
          tpu.vector_store %arg17[%parallel_loop3A_272, %parallel_loop3A_273], %parallel_loop3A_271 {strides = array<i32>} : memref<32x256xf32, #tpu.memory_space<vmem>>, vector<16xf32>,
          %parallel_loop3A_275 = arith.index_cast %parallel_loop3A_220 : i32 to index
          %parallel_loop3A_276 = arith.constant 112 : index
          %parallel_loop3A_277 = tpu.vector_load %arg17[%parallel_loop3A_275, %parallel_loop3A_276] {strides = array<i32>} : memref<32x256xf32, #tpu.memory_space<vmem>>, vector<16xf32>,
          %parallel_loop3A_278 = arith.mulf %parallel_loop3A_277, %parallel_loop3A_225 : vector<16xf32>
          %parallel_loop3A_279 = arith.index_cast %parallel_loop3A_220 : i32 to index
          %parallel_loop3A_280 = arith.constant 112 : index
          %parallel_loop3A_281 = tpu.vector_load %arg17[%parallel_loop3A_279, %parallel_loop3A_280] {strides = array<i32>} : memref<32x256xf32, #tpu.memory_space<vmem>>, vector<16xf32>,
          tpu.vector_store %arg17[%parallel_loop3A_279, %parallel_loop3A_280], %parallel_loop3A_278 {strides = array<i32>} : memref<32x256xf32, #tpu.memory_space<vmem>>, vector<16xf32>,
          %parallel_loop3A_282 = arith.index_cast %parallel_loop3A_220 : i32 to index
          %parallel_loop3A_283 = arith.constant 128 : index
          %parallel_loop3A_284 = tpu.vector_load %arg17[%parallel_loop3A_282, %parallel_loop3A_283] {strides = array<i32>} : memref<32x256xf32, #tpu.memory_space<vmem>>, vector<16xf32>,
          %parallel_loop3A_285 = arith.mulf %parallel_loop3A_284, %parallel_loop3A_225 : vector<16xf32>
          %parallel_loop3A_286 = arith.index_cast %parallel_loop3A_220 : i32 to index
          %parallel_loop3A_287 = arith.constant 128 : index
          %parallel_loop3A_288 = tpu.vector_load %arg17[%parallel_loop3A_286, %parallel_loop3A_287] {strides = array<i32>} : memref<32x256xf32, #tpu.memory_space<vmem>>, vector<16xf32>,
          tpu.vector_store %arg17[%parallel_loop3A_286, %parallel_loop3A_287], %parallel_loop3A_285 {strides = array<i32>} : memref<32x256xf32, #tpu.memory_space<vmem>>, vector<16xf32>,
          %parallel_loop3A_289 = arith.index_cast %parallel_loop3A_220 : i32 to index
          %parallel_loop3A_290 = arith.constant 144 : index
          %parallel_loop3A_291 = tpu.vector_load %arg17[%parallel_loop3A_289, %parallel_loop3A_290] {strides = array<i32>} : memref<32x256xf32, #tpu.memory_space<vmem>>, vector<16xf32>,
          %parallel_loop3A_292 = arith.mulf %parallel_loop3A_291, %parallel_loop3A_225 : vector<16xf32>
          %parallel_loop3A_293 = arith.index_cast %parallel_loop3A_220 : i32 to index
          %parallel_loop3A_294 = arith.constant 144 : index
          %parallel_loop3A_295 = tpu.vector_load %arg17[%parallel_loop3A_293, %parallel_loop3A_294] {strides = array<i32>} : memref<32x256xf32, #tpu.memory_space<vmem>>, vector<16xf32>,
          tpu.vector_store %arg17[%parallel_loop3A_293, %parallel_loop3A_294], %parallel_loop3A_292 {strides = array<i32>} : memref<32x256xf32, #tpu.memory_space<vmem>>, vector<16xf32>,
          %parallel_loop3A_296 = arith.index_cast %parallel_loop3A_220 : i32 to index
          %parallel_loop3A_297 = arith.constant 160 : index
          %parallel_loop3A_298 = tpu.vector_load %arg17[%parallel_loop3A_296, %parallel_loop3A_297] {strides = array<i32>} : memref<32x256xf32, #tpu.memory_space<vmem>>, vector<16xf32>,
          %parallel_loop3A_299 = arith.mulf %parallel_loop3A_298, %parallel_loop3A_225 : vector<16xf32>
          %parallel_loop3A_300 = arith.index_cast %parallel_loop3A_220 : i32 to index
          %parallel_loop3A_301 = arith.constant 160 : index
          %parallel_loop3A_302 = tpu.vector_load %arg17[%parallel_loop3A_300, %parallel_loop3A_301] {strides = array<i32>} : memref<32x256xf32, #tpu.memory_space<vmem>>, vector<16xf32>,
          tpu.vector_store %arg17[%parallel_loop3A_300, %parallel_loop3A_301], %parallel_loop3A_299 {strides = array<i32>} : memref<32x256xf32, #tpu.memory_space<vmem>>, vector<16xf32>,
          %parallel_loop3A_303 = arith.index_cast %parallel_loop3A_220 : i32 to index
          %parallel_loop3A_304 = arith.constant 176 : index
          %parallel_loop3A_305 = tpu.vector_load %arg17[%parallel_loop3A_303, %parallel_loop3A_304] {strides = array<i32>} : memref<32x256xf32, #tpu.memory_space<vmem>>, vector<16xf32>,
          %parallel_loop3A_306 = arith.mulf %parallel_loop3A_305, %parallel_loop3A_225 : vector<16xf32>
          %parallel_loop3A_307 = arith.index_cast %parallel_loop3A_220 : i32 to index
          %parallel_loop3A_308 = arith.constant 176 : index
          %parallel_loop3A_309 = tpu.vector_load %arg17[%parallel_loop3A_307, %parallel_loop3A_308] {strides = array<i32>} : memref<32x256xf32, #tpu.memory_space<vmem>>, vector<16xf32>,
          tpu.vector_store %arg17[%parallel_loop3A_307, %parallel_loop3A_308], %parallel_loop3A_306 {strides = array<i32>} : memref<32x256xf32, #tpu.memory_space<vmem>>, vector<16xf32>,
          %parallel_loop3A_310 = arith.index_cast %parallel_loop3A_220 : i32 to index
          %parallel_loop3A_311 = arith.constant 192 : index
          %parallel_loop3A_312 = tpu.vector_load %arg17[%parallel_loop3A_310, %parallel_loop3A_311] {strides = array<i32>} : memref<32x256xf32, #tpu.memory_space<vmem>>, vector<16xf32>,
          %parallel_loop3A_313 = arith.mulf %parallel_loop3A_312, %parallel_loop3A_225 : vector<16xf32>
          %parallel_loop3A_314 = arith.index_cast %parallel_loop3A_220 : i32 to index
          %parallel_loop3A_315 = arith.constant 192 : index
          %parallel_loop3A_316 = tpu.vector_load %arg17[%parallel_loop3A_314, %parallel_loop3A_315] {strides = array<i32>} : memref<32x256xf32, #tpu.memory_space<vmem>>, vector<16xf32>,
          tpu.vector_store %arg17[%parallel_loop3A_314, %parallel_loop3A_315], %parallel_loop3A_313 {strides = array<i32>} : memref<32x256xf32, #tpu.memory_space<vmem>>, vector<16xf32>,
          %parallel_loop3A_317 = arith.index_cast %parallel_loop3A_220 : i32 to index
          %parallel_loop3A_318 = arith.constant 208 : index
          %parallel_loop3A_319 = tpu.vector_load %arg17[%parallel_loop3A_317, %parallel_loop3A_318] {strides = array<i32>} : memref<32x256xf32, #tpu.memory_space<vmem>>, vector<16xf32>,
          %parallel_loop3A_320 = arith.mulf %parallel_loop3A_319, %parallel_loop3A_225 : vector<16xf32>
          %parallel_loop3A_321 = arith.index_cast %parallel_loop3A_220 : i32 to index
          %parallel_loop3A_322 = arith.constant 208 : index
          %parallel_loop3A_323 = tpu.vector_load %arg17[%parallel_loop3A_321, %parallel_loop3A_322] {strides = array<i32>} : memref<32x256xf32, #tpu.memory_space<vmem>>, vector<16xf32>,
          tpu.vector_store %arg17[%parallel_loop3A_321, %parallel_loop3A_322], %parallel_loop3A_320 {strides = array<i32>} : memref<32x256xf32, #tpu.memory_space<vmem>>, vector<16xf32>,
          %parallel_loop3A_324 = arith.index_cast %parallel_loop3A_220 : i32 to index
          %parallel_loop3A_325 = arith.constant 224 : index
          %parallel_loop3A_326 = tpu.vector_load %arg17[%parallel_loop3A_324, %parallel_loop3A_325] {strides = array<i32>} : memref<32x256xf32, #tpu.memory_space<vmem>>, vector<16xf32>,
          %parallel_loop3A_327 = arith.mulf %parallel_loop3A_326, %parallel_loop3A_225 : vector<16xf32>
          %parallel_loop3A_328 = arith.index_cast %parallel_loop3A_220 : i32 to index
          %parallel_loop3A_329 = arith.constant 224 : index
          %parallel_loop3A_330 = tpu.vector_load %arg17[%parallel_loop3A_328, %parallel_loop3A_329] {strides = array<i32>} : memref<32x256xf32, #tpu.memory_space<vmem>>, vector<16xf32>,
          tpu.vector_store %arg17[%parallel_loop3A_328, %parallel_loop3A_329], %parallel_loop3A_327 {strides = array<i32>} : memref<32x256xf32, #tpu.memory_space<vmem>>, vector<16xf32>,
          %parallel_loop3A_331 = arith.index_cast %parallel_loop3A_220 : i32 to index
          %parallel_loop3A_332 = arith.constant 240 : index
          %parallel_loop3A_333 = tpu.vector_load %arg17[%parallel_loop3A_331, %parallel_loop3A_332] {strides = array<i32>} : memref<32x256xf32, #tpu.memory_space<vmem>>, vector<16xf32>,
          %parallel_loop3A_334 = arith.mulf %parallel_loop3A_333, %parallel_loop3A_225 : vector<16xf32>
          %parallel_loop3A_335 = arith.index_cast %parallel_loop3A_220 : i32 to index
          %parallel_loop3A_336 = arith.constant 240 : index
          %parallel_loop3A_337 = tpu.vector_load %arg17[%parallel_loop3A_335, %parallel_loop3A_336] {strides = array<i32>} : memref<32x256xf32, #tpu.memory_space<vmem>>, vector<16xf32>,
          tpu.vector_store %arg17[%parallel_loop3A_335, %parallel_loop3A_336], %parallel_loop3A_334 {strides = array<i32>} : memref<32x256xf32, #tpu.memory_space<vmem>>, vector<16xf32>,
        } {sc.loop_unroll_factor = 1 : i64, sc.parallel_access}
        %mul3A_178 = arith.constant 32 : i32
        %mul3A_179 = arith.muli %add3A_172, %mul3A_178 : i32
        %add3A_180 = arith.constant 0 : i32
        %add3A_181 = arith.addi %mul3A_179, %add3A_180 : i32
        %get3A = arith.index_cast %add3A_181 : i32 to index
        %get3A_182 = tpu.vector_load %arg12[%get3A] {strides = array<i32>} : memref<2176xi32, #tpu.memory_space<vmem>>, vector<16xi32>,
        %swap3A = arith.constant 0 : index
        %swap3A_183 = tpu.vector_load %arg19[%swap3A] {strides = array<i32>} : memref<32xi32, #tpu.memory_space<vmem>>, vector<16xi32>,
        tpu.vector_store %arg19[%swap3A], %get3A_182 {strides = array<i32>} : memref<32xi32, #tpu.memory_space<vmem>>, vector<16xi32>,
        %mul3A_184 = arith.constant 32 : i32
        %mul3A_185 = arith.muli %add3A_172, %mul3A_184 : i32
        %add3A_186 = arith.constant 16 : i32
        %add3A_187 = arith.addi %mul3A_185, %add3A_186 : i32
        %get3A_188 = arith.index_cast %add3A_187 : i32 to index
        %get3A_189 = tpu.vector_load %arg12[%get3A_188] {strides = array<i32>} : memref<2176xi32, #tpu.memory_space<vmem>>, vector<16xi32>,
        %swap3A_190 = arith.constant 16 : index
        %swap3A_191 = tpu.vector_load %arg19[%swap3A_190] {strides = array<i32>} : memref<32xi32, #tpu.memory_space<vmem>>, vector<16xi32>,
        tpu.vector_store %arg19[%swap3A_190], %get3A_189 {strides = array<i32>} : memref<32xi32, #tpu.memory_space<vmem>>, vector<16xi32>,
        "tpu.trace_stop"() : () -> ()
        "tpu.trace_start"() <{level = 10 : i32, message = "hv_scatter"}> : () -> ()
        "tpu.region"() ({
          %run_scoped3A = tpu.sem_alloc : memref<!tpu.dma_semaphore, #tpu.memory_space<semaphore_mem>>
          %dma_start3A_220 = arith.constant 0 : i32
          %dma_start3A_221 = arith.constant 0 : i32
          %dma_start3A_222 = tpu.memref_slice %arg21[%dma_start3A_220, %dma_start3A_221] : memref<5120x256xf32, #tpu.memory_space<vmem_shared>> -> memref<5120x256xf32, #tpu.memory_space<vmem_shared>>
          tpu.enqueue_indirect_dma source(%arg17 : memref<32x256xf32, #tpu.memory_space<vmem>>) target(%dma_start3A_222 : memref<5120x256xf32, #tpu.memory_space<vmem_shared>>) offsets(%arg19 : memref<32xi32, #tpu.memory_space<vmem>>) semaphore(%run_scoped3A : memref<!tpu.dma_semaphore, #tpu.memory_space<semaphore_mem>>) {add = true}
          %dma_wait3A_223 = arith.constant 0 : i32
          %dma_wait3A_224 = arith.constant 0 : i32
          %dma_wait3A_225 = tpu.memref_slice %arg21[%dma_wait3A_223, %dma_wait3A_224] : memref<5120x256xf32, #tpu.memory_space<vmem_shared>> -> memref<5120x256xf32, #tpu.memory_space<vmem_shared>>
          tpu.wait_indirect_dma semaphore(%run_scoped3A : memref<!tpu.dma_semaphore, #tpu.memory_space<semaphore_mem>>) src(%arg17 : memref<32x256xf32, #tpu.memory_space<vmem>>) dst(%dma_wait3A_225 : memref<5120x256xf32, #tpu.memory_space<vmem_shared>>)
          tpu.yield
        }) : () -> ()
        "tpu.trace_stop"() : () -> ()
        %mul3A_192 = arith.constant 2 : i32
        %mul3A_193 = arith.muli %while3A_148, %mul3A_192 : i32
        %add3A_194 = arith.constant 1 : i32
        %add3A_195 = arith.addi %mul3A_193, %add3A_194 : i32
        "tpu.trace_start"() <{level = 10 : i32, message = "hv_wait"}> : () -> ()
        %dma_wait3A_196 = tpu.memref_slice %arg11[%mul3A_164] : memref<2176xi32, #tpu.memory_space<vmem>> -> memref<32xi32, #tpu.memory_space<vmem>>
        %dma_wait3A_197 = arith.constant 0 : i32
        %dma_wait3A_198 = arith.constant 0 : i32
        %dma_wait3A_199 = tpu.memref_slice %arg2[%dma_wait3A_197, %dma_wait3A_198] : memref<10000x256xf32, #tpu.memory_space<hbm>> -> memref<10000x256xf32, #tpu.memory_space<hbm>>
        tpu.wait_indirect_dma semaphore(%arg23 : memref<!tpu.dma_semaphore, #tpu.memory_space<semaphore_mem>>) src(%dma_wait3A_199 : memref<10000x256xf32, #tpu.memory_space<hbm>>) dst(%arg18 : memref<32x256xf32, #tpu.memory_space<vmem>>)
        %parallel_loop3A_200 = arith.constant 0 : i32
        %parallel_loop3A_201 = arith.constant 32 : i32
        %parallel_loop3A_202 = arith.constant 1 : i32
        "tpu.trace_stop"() : () -> ()
        "tpu.trace_start"() <{level = 10 : i32, message = "hv_scale"}> : () -> ()
        scf.for %parallel_loop3A_220 = %parallel_loop3A_200 to %parallel_loop3A_201 step %parallel_loop3A_202  : i32 {
          %parallel_loop3A_221 = arith.constant 32 : i32
          %parallel_loop3A_222 = arith.muli %add3A_195, %parallel_loop3A_221 : i32
          %parallel_loop3A_223 = arith.addi %parallel_loop3A_222, %parallel_loop3A_220 : i32
          %parallel_loop3A_224 = vector.broadcast %parallel_loop3A_223 : i32 to vector<16xi32>
          %parallel_loop3A_225 = tpu.vector_load_idx %arg13[%parallel_loop3A_224] : memref<2176xf32, #tpu.memory_space<vmem>>[vector<16xi32>], vector<16xf32>,
          %parallel_loop3A_226 = arith.index_cast %parallel_loop3A_220 : i32 to index
          %parallel_loop3A_227 = arith.constant 0 : index
          %parallel_loop3A_228 = tpu.vector_load %arg18[%parallel_loop3A_226, %parallel_loop3A_227] {strides = array<i32>} : memref<32x256xf32, #tpu.memory_space<vmem>>, vector<16xf32>,
          %parallel_loop3A_229 = arith.mulf %parallel_loop3A_228, %parallel_loop3A_225 : vector<16xf32>
          %parallel_loop3A_230 = arith.index_cast %parallel_loop3A_220 : i32 to index
          %parallel_loop3A_231 = arith.constant 0 : index
          %parallel_loop3A_232 = tpu.vector_load %arg18[%parallel_loop3A_230, %parallel_loop3A_231] {strides = array<i32>} : memref<32x256xf32, #tpu.memory_space<vmem>>, vector<16xf32>,
          tpu.vector_store %arg18[%parallel_loop3A_230, %parallel_loop3A_231], %parallel_loop3A_229 {strides = array<i32>} : memref<32x256xf32, #tpu.memory_space<vmem>>, vector<16xf32>,
          %parallel_loop3A_233 = arith.index_cast %parallel_loop3A_220 : i32 to index
          %parallel_loop3A_234 = arith.constant 16 : index
          %parallel_loop3A_235 = tpu.vector_load %arg18[%parallel_loop3A_233, %parallel_loop3A_234] {strides = array<i32>} : memref<32x256xf32, #tpu.memory_space<vmem>>, vector<16xf32>,
          %parallel_loop3A_236 = arith.mulf %parallel_loop3A_235, %parallel_loop3A_225 : vector<16xf32>
          %parallel_loop3A_237 = arith.index_cast %parallel_loop3A_220 : i32 to index
          %parallel_loop3A_238 = arith.constant 16 : index
          %parallel_loop3A_239 = tpu.vector_load %arg18[%parallel_loop3A_237, %parallel_loop3A_238] {strides = array<i32>} : memref<32x256xf32, #tpu.memory_space<vmem>>, vector<16xf32>,
          tpu.vector_store %arg18[%parallel_loop3A_237, %parallel_loop3A_238], %parallel_loop3A_236 {strides = array<i32>} : memref<32x256xf32, #tpu.memory_space<vmem>>, vector<16xf32>,
          %parallel_loop3A_240 = arith.index_cast %parallel_loop3A_220 : i32 to index
          %parallel_loop3A_241 = arith.constant 32 : index
          %parallel_loop3A_242 = tpu.vector_load %arg18[%parallel_loop3A_240, %parallel_loop3A_241] {strides = array<i32>} : memref<32x256xf32, #tpu.memory_space<vmem>>, vector<16xf32>,
          %parallel_loop3A_243 = arith.mulf %parallel_loop3A_242, %parallel_loop3A_225 : vector<16xf32>
          %parallel_loop3A_244 = arith.index_cast %parallel_loop3A_220 : i32 to index
          %parallel_loop3A_245 = arith.constant 32 : index
          %parallel_loop3A_246 = tpu.vector_load %arg18[%parallel_loop3A_244, %parallel_loop3A_245] {strides = array<i32>} : memref<32x256xf32, #tpu.memory_space<vmem>>, vector<16xf32>,
          tpu.vector_store %arg18[%parallel_loop3A_244, %parallel_loop3A_245], %parallel_loop3A_243 {strides = array<i32>} : memref<32x256xf32, #tpu.memory_space<vmem>>, vector<16xf32>,
          %parallel_loop3A_247 = arith.index_cast %parallel_loop3A_220 : i32 to index
          %parallel_loop3A_248 = arith.constant 48 : index
          %parallel_loop3A_249 = tpu.vector_load %arg18[%parallel_loop3A_247, %parallel_loop3A_248] {strides = array<i32>} : memref<32x256xf32, #tpu.memory_space<vmem>>, vector<16xf32>,
          %parallel_loop3A_250 = arith.mulf %parallel_loop3A_249, %parallel_loop3A_225 : vector<16xf32>
          %parallel_loop3A_251 = arith.index_cast %parallel_loop3A_220 : i32 to index
          %parallel_loop3A_252 = arith.constant 48 : index
          %parallel_loop3A_253 = tpu.vector_load %arg18[%parallel_loop3A_251, %parallel_loop3A_252] {strides = array<i32>} : memref<32x256xf32, #tpu.memory_space<vmem>>, vector<16xf32>,
          tpu.vector_store %arg18[%parallel_loop3A_251, %parallel_loop3A_252], %parallel_loop3A_250 {strides = array<i32>} : memref<32x256xf32, #tpu.memory_space<vmem>>, vector<16xf32>,
          %parallel_loop3A_254 = arith.index_cast %parallel_loop3A_220 : i32 to index
          %parallel_loop3A_255 = arith.constant 64 : index
          %parallel_loop3A_256 = tpu.vector_load %arg18[%parallel_loop3A_254, %parallel_loop3A_255] {strides = array<i32>} : memref<32x256xf32, #tpu.memory_space<vmem>>, vector<16xf32>,
          %parallel_loop3A_257 = arith.mulf %parallel_loop3A_256, %parallel_loop3A_225 : vector<16xf32>
          %parallel_loop3A_258 = arith.index_cast %parallel_loop3A_220 : i32 to index
          %parallel_loop3A_259 = arith.constant 64 : index
          %parallel_loop3A_260 = tpu.vector_load %arg18[%parallel_loop3A_258, %parallel_loop3A_259] {strides = array<i32>} : memref<32x256xf32, #tpu.memory_space<vmem>>, vector<16xf32>,
          tpu.vector_store %arg18[%parallel_loop3A_258, %parallel_loop3A_259], %parallel_loop3A_257 {strides = array<i32>} : memref<32x256xf32, #tpu.memory_space<vmem>>, vector<16xf32>,
          %parallel_loop3A_261 = arith.index_cast %parallel_loop3A_220 : i32 to index
          %parallel_loop3A_262 = arith.constant 80 : index
          %parallel_loop3A_263 = tpu.vector_load %arg18[%parallel_loop3A_261, %parallel_loop3A_262] {strides = array<i32>} : memref<32x256xf32, #tpu.memory_space<vmem>>, vector<16xf32>,
          %parallel_loop3A_264 = arith.mulf %parallel_loop3A_263, %parallel_loop3A_225 : vector<16xf32>
          %parallel_loop3A_265 = arith.index_cast %parallel_loop3A_220 : i32 to index
          %parallel_loop3A_266 = arith.constant 80 : index
          %parallel_loop3A_267 = tpu.vector_load %arg18[%parallel_loop3A_265, %parallel_loop3A_266] {strides = array<i32>} : memref<32x256xf32, #tpu.memory_space<vmem>>, vector<16xf32>,
          tpu.vector_store %arg18[%parallel_loop3A_265, %parallel_loop3A_266], %parallel_loop3A_264 {strides = array<i32>} : memref<32x256xf32, #tpu.memory_space<vmem>>, vector<16xf32>,
          %parallel_loop3A_268 = arith.index_cast %parallel_loop3A_220 : i32 to index
          %parallel_loop3A_269 = arith.constant 96 : index
          %parallel_loop3A_270 = tpu.vector_load %arg18[%parallel_loop3A_268, %parallel_loop3A_269] {strides = array<i32>} : memref<32x256xf32, #tpu.memory_space<vmem>>, vector<16xf32>,
          %parallel_loop3A_271 = arith.mulf %parallel_loop3A_270, %parallel_loop3A_225 : vector<16xf32>
          %parallel_loop3A_272 = arith.index_cast %parallel_loop3A_220 : i32 to index
          %parallel_loop3A_273 = arith.constant 96 : index
          %parallel_loop3A_274 = tpu.vector_load %arg18[%parallel_loop3A_272, %parallel_loop3A_273] {strides = array<i32>} : memref<32x256xf32, #tpu.memory_space<vmem>>, vector<16xf32>,
          tpu.vector_store %arg18[%parallel_loop3A_272, %parallel_loop3A_273], %parallel_loop3A_271 {strides = array<i32>} : memref<32x256xf32, #tpu.memory_space<vmem>>, vector<16xf32>,
          %parallel_loop3A_275 = arith.index_cast %parallel_loop3A_220 : i32 to index
          %parallel_loop3A_276 = arith.constant 112 : index
          %parallel_loop3A_277 = tpu.vector_load %arg18[%parallel_loop3A_275, %parallel_loop3A_276] {strides = array<i32>} : memref<32x256xf32, #tpu.memory_space<vmem>>, vector<16xf32>,
          %parallel_loop3A_278 = arith.mulf %parallel_loop3A_277, %parallel_loop3A_225 : vector<16xf32>
          %parallel_loop3A_279 = arith.index_cast %parallel_loop3A_220 : i32 to index
          %parallel_loop3A_280 = arith.constant 112 : index
          %parallel_loop3A_281 = tpu.vector_load %arg18[%parallel_loop3A_279, %parallel_loop3A_280] {strides = array<i32>} : memref<32x256xf32, #tpu.memory_space<vmem>>, vector<16xf32>,
          tpu.vector_store %arg18[%parallel_loop3A_279, %parallel_loop3A_280], %parallel_loop3A_278 {strides = array<i32>} : memref<32x256xf32, #tpu.memory_space<vmem>>, vector<16xf32>,
          %parallel_loop3A_282 = arith.index_cast %parallel_loop3A_220 : i32 to index
          %parallel_loop3A_283 = arith.constant 128 : index
          %parallel_loop3A_284 = tpu.vector_load %arg18[%parallel_loop3A_282, %parallel_loop3A_283] {strides = array<i32>} : memref<32x256xf32, #tpu.memory_space<vmem>>, vector<16xf32>,
          %parallel_loop3A_285 = arith.mulf %parallel_loop3A_284, %parallel_loop3A_225 : vector<16xf32>
          %parallel_loop3A_286 = arith.index_cast %parallel_loop3A_220 : i32 to index
          %parallel_loop3A_287 = arith.constant 128 : index
          %parallel_loop3A_288 = tpu.vector_load %arg18[%parallel_loop3A_286, %parallel_loop3A_287] {strides = array<i32>} : memref<32x256xf32, #tpu.memory_space<vmem>>, vector<16xf32>,
          tpu.vector_store %arg18[%parallel_loop3A_286, %parallel_loop3A_287], %parallel_loop3A_285 {strides = array<i32>} : memref<32x256xf32, #tpu.memory_space<vmem>>, vector<16xf32>,
          %parallel_loop3A_289 = arith.index_cast %parallel_loop3A_220 : i32 to index
          %parallel_loop3A_290 = arith.constant 144 : index
          %parallel_loop3A_291 = tpu.vector_load %arg18[%parallel_loop3A_289, %parallel_loop3A_290] {strides = array<i32>} : memref<32x256xf32, #tpu.memory_space<vmem>>, vector<16xf32>,
          %parallel_loop3A_292 = arith.mulf %parallel_loop3A_291, %parallel_loop3A_225 : vector<16xf32>
          %parallel_loop3A_293 = arith.index_cast %parallel_loop3A_220 : i32 to index
          %parallel_loop3A_294 = arith.constant 144 : index
          %parallel_loop3A_295 = tpu.vector_load %arg18[%parallel_loop3A_293, %parallel_loop3A_294] {strides = array<i32>} : memref<32x256xf32, #tpu.memory_space<vmem>>, vector<16xf32>,
          tpu.vector_store %arg18[%parallel_loop3A_293, %parallel_loop3A_294], %parallel_loop3A_292 {strides = array<i32>} : memref<32x256xf32, #tpu.memory_space<vmem>>, vector<16xf32>,
          %parallel_loop3A_296 = arith.index_cast %parallel_loop3A_220 : i32 to index
          %parallel_loop3A_297 = arith.constant 160 : index
          %parallel_loop3A_298 = tpu.vector_load %arg18[%parallel_loop3A_296, %parallel_loop3A_297] {strides = array<i32>} : memref<32x256xf32, #tpu.memory_space<vmem>>, vector<16xf32>,
          %parallel_loop3A_299 = arith.mulf %parallel_loop3A_298, %parallel_loop3A_225 : vector<16xf32>
          %parallel_loop3A_300 = arith.index_cast %parallel_loop3A_220 : i32 to index
          %parallel_loop3A_301 = arith.constant 160 : index
          %parallel_loop3A_302 = tpu.vector_load %arg18[%parallel_loop3A_300, %parallel_loop3A_301] {strides = array<i32>} : memref<32x256xf32, #tpu.memory_space<vmem>>, vector<16xf32>,
          tpu.vector_store %arg18[%parallel_loop3A_300, %parallel_loop3A_301], %parallel_loop3A_299 {strides = array<i32>} : memref<32x256xf32, #tpu.memory_space<vmem>>, vector<16xf32>,
          %parallel_loop3A_303 = arith.index_cast %parallel_loop3A_220 : i32 to index
          %parallel_loop3A_304 = arith.constant 176 : index
          %parallel_loop3A_305 = tpu.vector_load %arg18[%parallel_loop3A_303, %parallel_loop3A_304] {strides = array<i32>} : memref<32x256xf32, #tpu.memory_space<vmem>>, vector<16xf32>,
          %parallel_loop3A_306 = arith.mulf %parallel_loop3A_305, %parallel_loop3A_225 : vector<16xf32>
          %parallel_loop3A_307 = arith.index_cast %parallel_loop3A_220 : i32 to index
          %parallel_loop3A_308 = arith.constant 176 : index
          %parallel_loop3A_309 = tpu.vector_load %arg18[%parallel_loop3A_307, %parallel_loop3A_308] {strides = array<i32>} : memref<32x256xf32, #tpu.memory_space<vmem>>, vector<16xf32>,
          tpu.vector_store %arg18[%parallel_loop3A_307, %parallel_loop3A_308], %parallel_loop3A_306 {strides = array<i32>} : memref<32x256xf32, #tpu.memory_space<vmem>>, vector<16xf32>,
          %parallel_loop3A_310 = arith.index_cast %parallel_loop3A_220 : i32 to index
          %parallel_loop3A_311 = arith.constant 192 : index
          %parallel_loop3A_312 = tpu.vector_load %arg18[%parallel_loop3A_310, %parallel_loop3A_311] {strides = array<i32>} : memref<32x256xf32, #tpu.memory_space<vmem>>, vector<16xf32>,
          %parallel_loop3A_313 = arith.mulf %parallel_loop3A_312, %parallel_loop3A_225 : vector<16xf32>
          %parallel_loop3A_314 = arith.index_cast %parallel_loop3A_220 : i32 to index
          %parallel_loop3A_315 = arith.constant 192 : index
          %parallel_loop3A_316 = tpu.vector_load %arg18[%parallel_loop3A_314, %parallel_loop3A_315] {strides = array<i32>} : memref<32x256xf32, #tpu.memory_space<vmem>>, vector<16xf32>,
          tpu.vector_store %arg18[%parallel_loop3A_314, %parallel_loop3A_315], %parallel_loop3A_313 {strides = array<i32>} : memref<32x256xf32, #tpu.memory_space<vmem>>, vector<16xf32>,
          %parallel_loop3A_317 = arith.index_cast %parallel_loop3A_220 : i32 to index
          %parallel_loop3A_318 = arith.constant 208 : index
          %parallel_loop3A_319 = tpu.vector_load %arg18[%parallel_loop3A_317, %parallel_loop3A_318] {strides = array<i32>} : memref<32x256xf32, #tpu.memory_space<vmem>>, vector<16xf32>,
          %parallel_loop3A_320 = arith.mulf %parallel_loop3A_319, %parallel_loop3A_225 : vector<16xf32>
          %parallel_loop3A_321 = arith.index_cast %parallel_loop3A_220 : i32 to index
          %parallel_loop3A_322 = arith.constant 208 : index
          %parallel_loop3A_323 = tpu.vector_load %arg18[%parallel_loop3A_321, %parallel_loop3A_322] {strides = array<i32>} : memref<32x256xf32, #tpu.memory_space<vmem>>, vector<16xf32>,
          tpu.vector_store %arg18[%parallel_loop3A_321, %parallel_loop3A_322], %parallel_loop3A_320 {strides = array<i32>} : memref<32x256xf32, #tpu.memory_space<vmem>>, vector<16xf32>,
          %parallel_loop3A_324 = arith.index_cast %parallel_loop3A_220 : i32 to index
          %parallel_loop3A_325 = arith.constant 224 : index
          %parallel_loop3A_326 = tpu.vector_load %arg18[%parallel_loop3A_324, %parallel_loop3A_325] {strides = array<i32>} : memref<32x256xf32, #tpu.memory_space<vmem>>, vector<16xf32>,
          %parallel_loop3A_327 = arith.mulf %parallel_loop3A_326, %parallel_loop3A_225 : vector<16xf32>
          %parallel_loop3A_328 = arith.index_cast %parallel_loop3A_220 : i32 to index
          %parallel_loop3A_329 = arith.constant 224 : index
          %parallel_loop3A_330 = tpu.vector_load %arg18[%parallel_loop3A_328, %parallel_loop3A_329] {strides = array<i32>} : memref<32x256xf32, #tpu.memory_space<vmem>>, vector<16xf32>,
          tpu.vector_store %arg18[%parallel_loop3A_328, %parallel_loop3A_329], %parallel_loop3A_327 {strides = array<i32>} : memref<32x256xf32, #tpu.memory_space<vmem>>, vector<16xf32>,
          %parallel_loop3A_331 = arith.index_cast %parallel_loop3A_220 : i32 to index
          %parallel_loop3A_332 = arith.constant 240 : index
          %parallel_loop3A_333 = tpu.vector_load %arg18[%parallel_loop3A_331, %parallel_loop3A_332] {strides = array<i32>} : memref<32x256xf32, #tpu.memory_space<vmem>>, vector<16xf32>,
          %parallel_loop3A_334 = arith.mulf %parallel_loop3A_333, %parallel_loop3A_225 : vector<16xf32>
          %parallel_loop3A_335 = arith.index_cast %parallel_loop3A_220 : i32 to index
          %parallel_loop3A_336 = arith.constant 240 : index
          %parallel_loop3A_337 = tpu.vector_load %arg18[%parallel_loop3A_335, %parallel_loop3A_336] {strides = array<i32>} : memref<32x256xf32, #tpu.memory_space<vmem>>, vector<16xf32>,
          tpu.vector_store %arg18[%parallel_loop3A_335, %parallel_loop3A_336], %parallel_loop3A_334 {strides = array<i32>} : memref<32x256xf32, #tpu.memory_space<vmem>>, vector<16xf32>,
        } {sc.loop_unroll_factor = 1 : i64, sc.parallel_access}
        %mul3A_203 = arith.constant 32 : i32
        %mul3A_204 = arith.muli %add3A_195, %mul3A_203 : i32
        %add3A_205 = arith.constant 0 : i32
        %add3A_206 = arith.addi %mul3A_204, %add3A_205 : i32
        %get3A_207 = arith.index_cast %add3A_206 : i32 to index
        %get3A_208 = tpu.vector_load %arg12[%get3A_207] {strides = array<i32>} : memref<2176xi32, #tpu.memory_space<vmem>>, vector<16xi32>,
        %swap3A_209 = arith.constant 0 : index
        %swap3A_210 = tpu.vector_load %arg20[%swap3A_209] {strides = array<i32>} : memref<32xi32, #tpu.memory_space<vmem>>, vector<16xi32>,
        tpu.vector_store %arg20[%swap3A_209], %get3A_208 {strides = array<i32>} : memref<32xi32, #tpu.memory_space<vmem>>, vector<16xi32>,
        %mul3A_211 = arith.constant 32 : i32
        %mul3A_212 = arith.muli %add3A_195, %mul3A_211 : i32
        %add3A_213 = arith.constant 16 : i32
        %add3A_214 = arith.addi %mul3A_212, %add3A_213 : i32
        %get3A_215 = arith.index_cast %add3A_214 : i32 to index
        %get3A_216 = tpu.vector_load %arg12[%get3A_215] {strides = array<i32>} : memref<2176xi32, #tpu.memory_space<vmem>>, vector<16xi32>,
        %swap3A_217 = arith.constant 16 : index
        %swap3A_218 = tpu.vector_load %arg20[%swap3A_217] {strides = array<i32>} : memref<32xi32, #tpu.memory_space<vmem>>, vector<16xi32>,
        tpu.vector_store %arg20[%swap3A_217], %get3A_216 {strides = array<i32>} : memref<32xi32, #tpu.memory_space<vmem>>, vector<16xi32>,
        "tpu.trace_stop"() : () -> ()
        "tpu.trace_start"() <{level = 10 : i32, message = "hv_scatter"}> : () -> ()
        "tpu.region"() ({
          %run_scoped3A = tpu.sem_alloc : memref<!tpu.dma_semaphore, #tpu.memory_space<semaphore_mem>>
          %dma_start3A_220 = arith.constant 0 : i32
          %dma_start3A_221 = arith.constant 0 : i32
          %dma_start3A_222 = tpu.memref_slice %arg21[%dma_start3A_220, %dma_start3A_221] : memref<5120x256xf32, #tpu.memory_space<vmem_shared>> -> memref<5120x256xf32, #tpu.memory_space<vmem_shared>>
          tpu.enqueue_indirect_dma source(%arg18 : memref<32x256xf32, #tpu.memory_space<vmem>>) target(%dma_start3A_222 : memref<5120x256xf32, #tpu.memory_space<vmem_shared>>) offsets(%arg20 : memref<32xi32, #tpu.memory_space<vmem>>) semaphore(%run_scoped3A : memref<!tpu.dma_semaphore, #tpu.memory_space<semaphore_mem>>) {add = true}
          %dma_wait3A_223 = arith.constant 0 : i32
          %dma_wait3A_224 = arith.constant 0 : i32
          %dma_wait3A_225 = tpu.memref_slice %arg21[%dma_wait3A_223, %dma_wait3A_224] : memref<5120x256xf32, #tpu.memory_space<vmem_shared>> -> memref<5120x256xf32, #tpu.memory_space<vmem_shared>>
          tpu.wait_indirect_dma semaphore(%run_scoped3A : memref<!tpu.dma_semaphore, #tpu.memory_space<semaphore_mem>>) src(%arg18 : memref<32x256xf32, #tpu.memory_space<vmem>>) dst(%dma_wait3A_225 : memref<5120x256xf32, #tpu.memory_space<vmem_shared>>)
          tpu.yield
        }) : () -> ()
        "tpu.trace_stop"() : () -> ()
        %while3A_219 = arith.constant 0 : i32
        scf.yield %while3A_219 : i32
      }
      "tpu.trace_stop"() : () -> ()
      %scan3A_147 = arith.constant 0 : i32
      scf.yield %scan3A_147 : i32
    }
    %scan3A_53 = arith.constant 5 : i32
    "tpu.region"() ({
      %run_scoped3A = tpu.sem_alloc : memref<!tpu.dma_semaphore, #tpu.memory_space<semaphore_mem>>
      %dma_start3A = arith.constant 0 : i32
      %dma_start3A_55 = tpu.memref_slice %arg8[%arg0, %arg1, %dma_start3A] : memref<2x16x5120xf32, #tpu.memory_space<hbm>> -> memref<1x1x5120xf32, #tpu.memory_space<hbm>>
      %dma_start3A_56 = tpu.memref_squeeze %dma_start3A_55 : memref<1x1x5120xf32, #tpu.memory_space<hbm>> -> memref<5120xf32, #tpu.memory_space<hbm>>
      %dma_start3A_57 = arith.constant 0 : i32
      %dma_start3A_58 = tpu.memref_slice %arg8[%arg0, %arg1, %dma_start3A_57] : memref<2x16x5120xf32, #tpu.memory_space<hbm>> -> memref<1x1x5120xf32, #tpu.memory_space<hbm>>
      %dma_start3A_59 = tpu.memref_squeeze %dma_start3A_58 : memref<1x1x5120xf32, #tpu.memory_space<hbm>> -> memref<5120xf32, #tpu.memory_space<hbm>>
      tpu.enqueue_dma source(%arg16 : memref<5120xf32, #tpu.memory_space<vmem>>) target(%dma_start3A_59 : memref<5120xf32, #tpu.memory_space<hbm>>) target_semaphore(%run_scoped3A : memref<!tpu.dma_semaphore, #tpu.memory_space<semaphore_mem>>)
      %dma_wait3A = arith.constant 0 : i32
      %dma_wait3A_60 = tpu.memref_slice %arg8[%arg0, %arg1, %dma_wait3A] : memref<2x16x5120xf32, #tpu.memory_space<hbm>> -> memref<1x1x5120xf32, #tpu.memory_space<hbm>>
      %dma_wait3A_61 = tpu.memref_squeeze %dma_wait3A_60 : memref<1x1x5120xf32, #tpu.memory_space<hbm>> -> memref<5120xf32, #tpu.memory_space<hbm>>
      %dma_wait3A_62 = arith.constant 0 : i32
      %dma_wait3A_63 = tpu.memref_slice %arg8[%arg0, %arg1, %dma_wait3A_62] : memref<2x16x5120xf32, #tpu.memory_space<hbm>> -> memref<1x1x5120xf32, #tpu.memory_space<hbm>>
      %dma_wait3A_64 = tpu.memref_squeeze %dma_wait3A_63 : memref<1x1x5120xf32, #tpu.memory_space<hbm>> -> memref<5120xf32, #tpu.memory_space<hbm>>
      tpu.wait_dma2 semaphore(%run_scoped3A : memref<!tpu.dma_semaphore, #tpu.memory_space<semaphore_mem>>) src(%arg16 : memref<5120xf32, #tpu.memory_space<vmem>>) dst(%dma_wait3A_64 : memref<5120xf32, #tpu.memory_space<hbm>>)
      tpu.yield
    }) : () -> ()
    %barrier3A_54 = arith.constant 0 : index
    tpu.barrier barrier_id(%barrier3A_54)
    "tpu.region"() ({
      %run_scoped3A = tpu.sem_alloc : memref<!tpu.dma_semaphore, #tpu.memory_space<semaphore_mem>>
      %dma_start3A = arith.constant 0 : i32
      %dma_start3A_55 = tpu.memref_slice %arg7[%arg0, %mul3A_27, %dma_start3A] : memref<2x5120x256xf32, #tpu.memory_space<hbm>> -> memref<1x320x256xf32, #tpu.memory_space<hbm>>
      %dma_start3A_56 = tpu.memref_squeeze %dma_start3A_55 : memref<1x320x256xf32, #tpu.memory_space<hbm>> -> memref<320x256xf32, #tpu.memory_space<hbm>>
      %dma_start3A_57 = arith.constant 0 : i32
      %dma_start3A_58 = tpu.memref_slice %arg21[%mul3A_27, %dma_start3A_57] : memref<5120x256xf32, #tpu.memory_space<vmem_shared>> -> memref<320x256xf32, #tpu.memory_space<vmem_shared>>
      tpu.enqueue_dma source(%dma_start3A_58 : memref<320x256xf32, #tpu.memory_space<vmem_shared>>) target(%dma_start3A_56 : memref<320x256xf32, #tpu.memory_space<hbm>>) target_semaphore(%run_scoped3A : memref<!tpu.dma_semaphore, #tpu.memory_space<semaphore_mem>>)
      %dma_wait3A = arith.constant 0 : i32
      %dma_wait3A_59 = tpu.memref_slice %arg7[%arg0, %mul3A_27, %dma_wait3A] : memref<2x5120x256xf32, #tpu.memory_space<hbm>> -> memref<1x320x256xf32, #tpu.memory_space<hbm>>
      %dma_wait3A_60 = tpu.memref_squeeze %dma_wait3A_59 : memref<1x320x256xf32, #tpu.memory_space<hbm>> -> memref<320x256xf32, #tpu.memory_space<hbm>>
      %dma_wait3A_61 = arith.constant 0 : i32
      %dma_wait3A_62 = tpu.memref_slice %arg21[%mul3A_27, %dma_wait3A_61] : memref<5120x256xf32, #tpu.memory_space<vmem_shared>> -> memref<320x256xf32, #tpu.memory_space<vmem_shared>>
      tpu.wait_dma2 semaphore(%run_scoped3A : memref<!tpu.dma_semaphore, #tpu.memory_space<semaphore_mem>>) src(%dma_wait3A_62 : memref<320x256xf32, #tpu.memory_space<vmem_shared>>) dst(%dma_wait3A_60 : memref<320x256xf32, #tpu.memory_space<hbm>>)
      tpu.yield
    }) : () -> ()
    return
  }
}

module attributes {stable_mosaic.version = 14 : i64} {
  func.func @_tc1_body(%arg0: i32, %arg1: memref<1000x256xf32, #tpu.memory_space<vmem>>, %arg2: memref<256x256xf32, #tpu.memory_space<vmem>>, %arg3: memref<256x128xf32, #tpu.memory_space<vmem>>, %arg4: memref<1000x256xf32, #tpu.memory_space<vmem>>, %arg5: memref<1000x128xf32, #tpu.memory_space<vmem>>) attributes {dimension_semantics = [#tpu.dimension_semantics<arbitrary>], iteration_bounds = array<i64: 10>, scalar_prefetch = 0 : i64, scratch_operands = 0 : i64, tpu.core_type = #tpu.core_type<tc>, window_params = [{transform_indices = @transform_0, window_bounds = array<i64: 1000, 256>}, {pipeline_mode = #tpu.pipeline_mode<synchronous>, transform_indices = @transform_1, window_bounds = array<i64: 256, 256>}, {pipeline_mode = #tpu.pipeline_mode<synchronous>, transform_indices = @transform_2, window_bounds = array<i64: 256, 128>}, {transform_indices = @transform_3, window_bounds = array<i64: 1000, 256>}, {transform_indices = @transform_4, window_bounds = array<i64: 1000, 128>}]} {
    %get3A = arith.constant 0 : index
    %get3A_0 = arith.constant 0 : index
    %get3A_1 = vector.load %arg1[%get3A, %get3A_0] : memref<1000x256xf32, #tpu.memory_space<vmem>>, vector<1000x256xf32>
    %get3A_2 = arith.constant 0 : index
    %get3A_3 = arith.constant 0 : index
    %get3A_4 = vector.load %arg2[%get3A_2, %get3A_3] : memref<256x256xf32, #tpu.memory_space<vmem>>, vector<256x256xf32>
    %dot_general3A = arith.constant dense<0.000000e+00> : vector<1000x256xf32>
    %dot_general3A_5 = tpu.matmul %get3A_1, %get3A_4, %dot_general3A {dimension_numbers = #tpu.dot_dimension_numbers<[1], [0], [0], [1], [0, 0, 1, 1], [], []>, transpose_lhs_hint = false} : vector<1000x256xf32>, vector<256x256xf32>, vector<1000x256xf32> -> vector<1000x256xf32>
    %swap3A = arith.constant 0 : index
    %swap3A_6 = arith.constant 0 : index
    %swap3A_7 = vector.load %arg4[%swap3A, %swap3A_6] : memref<1000x256xf32, #tpu.memory_space<vmem>>, vector<1000x256xf32>
    tpu.vector_store %arg4[%swap3A, %swap3A_6], %dot_general3A_5 {strides = array<i32>} : memref<1000x256xf32, #tpu.memory_space<vmem>>, vector<1000x256xf32>,
    %get3A_8 = arith.constant 0 : index
    %get3A_9 = arith.constant 0 : index
    %get3A_10 = vector.load %arg3[%get3A_8, %get3A_9] : memref<256x128xf32, #tpu.memory_space<vmem>>, vector<256x128xf32>
    %dot_general3A_11 = arith.constant dense<0.000000e+00> : vector<1000x128xf32>
    %dot_general3A_12 = tpu.matmul %get3A_1, %get3A_10, %dot_general3A_11 {dimension_numbers = #tpu.dot_dimension_numbers<[1], [0], [0], [1], [0, 0, 1, 1], [], []>, transpose_lhs_hint = false} : vector<1000x256xf32>, vector<256x128xf32>, vector<1000x128xf32> -> vector<1000x128xf32>
    %swap3A_13 = arith.constant 0 : index
    %swap3A_14 = arith.constant 0 : index
    %swap3A_15 = vector.load %arg5[%swap3A_13, %swap3A_14] : memref<1000x128xf32, #tpu.memory_space<vmem>>, vector<1000x128xf32>
    tpu.vector_store %arg5[%swap3A_13, %swap3A_14], %dot_general3A_12 {strides = array<i32>} : memref<1000x128xf32, #tpu.memory_space<vmem>>, vector<1000x128xf32>,
    return
  }
  func.func @transform_0(%arg0: i32) -> (i32, i32) {
    %c0_i32 = arith.constant 0 : i32
    %c0_i32_0 = arith.constant 0 : i32
    return %arg0, %c0_i32 : i32, i32
  }
  func.func @transform_1(%arg0: i32) -> (i32, i32) {
    %c0_i32 = arith.constant 0 : i32
    %c0_i32_0 = arith.constant 0 : i32
    %c0_i32_1 = arith.constant 0 : i32
    return %c0_i32, %c0_i32_0 : i32, i32
  }
  func.func @transform_2(%arg0: i32) -> (i32, i32) {
    %c0_i32 = arith.constant 0 : i32
    %c0_i32_0 = arith.constant 0 : i32
    %c0_i32_1 = arith.constant 0 : i32
    return %c0_i32, %c0_i32_0 : i32, i32
  }
  func.func @transform_3(%arg0: i32) -> (i32, i32) {
    %c0_i32 = arith.constant 0 : i32
    %c0_i32_0 = arith.constant 0 : i32
    return %arg0, %c0_i32 : i32, i32
  }
  func.func @transform_4(%arg0: i32) -> (i32, i32) {
    %c0_i32 = arith.constant 0 : i32
    %c0_i32_0 = arith.constant 0 : i32
    return %arg0, %c0_i32 : i32, i32
  }
}

module attributes {stable_mosaic.version = 14 : i64} {
  func.func @_tc2_body(%arg0: i32, %arg1: i32, %arg2: memref<1x1280x256xf32, #tpu.memory_space<vmem>>, %arg3: memref<1x16x1280xf32, #tpu.memory_space<vmem>>, %arg4: memref<256xf32, #tpu.memory_space<vmem>>, %arg5: memref<256x64xf32, #tpu.memory_space<vmem>>, %arg6: memref<64xf32, #tpu.memory_space<vmem>>, %arg7: memref<1x1280x256xf32, #tpu.memory_space<vmem>>, %arg8: memref<1x1280x64xf32, #tpu.memory_space<vmem>>) attributes {dimension_semantics = [#tpu.dimension_semantics<arbitrary>, #tpu.dimension_semantics<arbitrary>], iteration_bounds = array<i64: 2, 4>, scalar_prefetch = 0 : i64, scratch_operands = 0 : i64, tpu.core_type = #tpu.core_type<tc>, window_params = [{transform_indices = @transform_0, window_bounds = array<i64: 1, 1280, 256>}, {transform_indices = @transform_1, window_bounds = array<i64: 1, 16, 1280>}, {pipeline_mode = #tpu.pipeline_mode<synchronous>, transform_indices = @transform_2, window_bounds = array<i64: 256>}, {pipeline_mode = #tpu.pipeline_mode<synchronous>, transform_indices = @transform_3, window_bounds = array<i64: 256, 64>}, {pipeline_mode = #tpu.pipeline_mode<synchronous>, transform_indices = @transform_4, window_bounds = array<i64: 64>}, {transform_indices = @transform_5, window_bounds = array<i64: 1, 1280, 256>}, {transform_indices = @transform_6, window_bounds = array<i64: 1, 1280, 64>}]} {
    %get3A = arith.constant 0 : index
    %get3A_0 = arith.constant 0 : index
    %get3A_1 = arith.constant 0 : index
    %get3A_2 = vector.load %arg3[%get3A, %get3A_0, %get3A_1] : memref<1x16x1280xf32, #tpu.memory_space<vmem>>, vector<1x16x1280xf32>
    %get3A_3 = vector.shape_cast %get3A_2 : vector<1x16x1280xf32> to vector<16x1280xf32>
    %reduce_sum3A = arith.constant dense<0.000000e+00> : vector<1280xf32>
    %reduce_sum3A_4 = vector.multi_reduction <add>, %get3A_3, %reduce_sum3A [0] : vector<16x1280xf32> to vector<1280xf32>
    %get3A_5 = arith.constant 0 : index
    %get3A_6 = arith.constant 0 : index
    %get3A_7 = arith.constant 0 : index
    %get3A_8 = vector.load %arg2[%get3A_5, %get3A_6, %get3A_7] : memref<1x1280x256xf32, #tpu.memory_space<vmem>>, vector<1x1280x256xf32>
    %get3A_9 = vector.shape_cast %get3A_8 : vector<1x1280x256xf32> to vector<1280x256xf32>
    %broadcast_in_dim3A = vector.shape_cast %reduce_sum3A_4 : vector<1280xf32> to vector<1280x1xf32>
    %add3A = arith.constant 1.000000e-16 : f32
    %add3A_10 = vector.broadcast %add3A : f32 to vector<1280x1xf32>
    %add3A_11 = arith.addf %broadcast_in_dim3A, %add3A_10 : vector<1280x1xf32>
    %div3A = vector.broadcast %add3A_11 : vector<1280x1xf32> to vector<1280x256xf32>
    %div3A_12 = arith.divf %get3A_9, %div3A : vector<1280x256xf32>
    %get3A_13 = arith.constant 0 : index
    %get3A_14 = vector.load %arg4[%get3A_13] : memref<256xf32, #tpu.memory_space<vmem>>, vector<256xf32>
    %broadcast_in_dim3A_15 = vector.shape_cast %get3A_14 : vector<256xf32> to vector<1x256xf32>
    %add3A_16 = vector.broadcast %broadcast_in_dim3A_15 : vector<1x256xf32> to vector<1280x256xf32>
    %add3A_17 = arith.addf %div3A_12, %add3A_16 : vector<1280x256xf32>
    %max3A = arith.constant 0.000000e+00 : f32
    %max3A_18 = vector.broadcast %max3A : f32 to vector<1280x256xf32>
    %max3A_19 = arith.maximumf %add3A_17, %max3A_18 : vector<1280x256xf32>
    %swap3A = arith.constant 0 : index
    %swap3A_20 = arith.constant 0 : index
    %swap3A_21 = arith.constant 0 : index
    %swap3A_22 = vector.load %arg7[%swap3A, %swap3A_20, %swap3A_21] : memref<1x1280x256xf32, #tpu.memory_space<vmem>>, vector<1x1280x256xf32>
    %swap3A_23 = vector.shape_cast %swap3A_22 : vector<1x1280x256xf32> to vector<1280x256xf32>
    %swap3A_24 = vector.shape_cast %max3A_19 : vector<1280x256xf32> to vector<1x1280x256xf32>
    tpu.vector_store %arg7[%swap3A, %swap3A_20, %swap3A_21], %swap3A_24 {strides = array<i32>} : memref<1x1280x256xf32, #tpu.memory_space<vmem>>, vector<1x1280x256xf32>,
    %get3A_25 = arith.constant 0 : index
    %get3A_26 = arith.constant 0 : index
    %get3A_27 = vector.load %arg5[%get3A_25, %get3A_26] : memref<256x64xf32, #tpu.memory_space<vmem>>, vector<256x64xf32>
    %dot_general3A = arith.constant dense<0.000000e+00> : vector<1280x64xf32>
    %dot_general3A_28 = tpu.matmul %max3A_19, %get3A_27, %dot_general3A {dimension_numbers = #tpu.dot_dimension_numbers<[1], [0], [0], [1], [0, 0, 1, 1], [], []>, transpose_lhs_hint = false} : vector<1280x256xf32>, vector<256x64xf32>, vector<1280x64xf32> -> vector<1280x64xf32>
    %get3A_29 = arith.constant 0 : index
    %get3A_30 = vector.load %arg6[%get3A_29] : memref<64xf32, #tpu.memory_space<vmem>>, vector<64xf32>
    %broadcast_in_dim3A_31 = vector.shape_cast %get3A_30 : vector<64xf32> to vector<1x64xf32>
    %add3A_32 = vector.broadcast %broadcast_in_dim3A_31 : vector<1x64xf32> to vector<1280x64xf32>
    %add3A_33 = arith.addf %dot_general3A_28, %add3A_32 : vector<1280x64xf32>
    %swap3A_34 = arith.constant 0 : index
    %swap3A_35 = arith.constant 0 : index
    %swap3A_36 = arith.constant 0 : index
    %swap3A_37 = vector.load %arg8[%swap3A_34, %swap3A_35, %swap3A_36] : memref<1x1280x64xf32, #tpu.memory_space<vmem>>, vector<1x1280x64xf32>
    %swap3A_38 = vector.shape_cast %swap3A_37 : vector<1x1280x64xf32> to vector<1280x64xf32>
    %swap3A_39 = vector.shape_cast %add3A_33 : vector<1280x64xf32> to vector<1x1280x64xf32>
    tpu.vector_store %arg8[%swap3A_34, %swap3A_35, %swap3A_36], %swap3A_39 {strides = array<i32>} : memref<1x1280x64xf32, #tpu.memory_space<vmem>>, vector<1x1280x64xf32>,
    return
  }
  func.func @transform_0(%arg0: i32, %arg1: i32) -> (i32, i32, i32) {
    %c0_i32 = arith.constant 0 : i32
    %c0_i32_0 = arith.constant 0 : i32
    return %arg0, %arg1, %c0_i32 : i32, i32, i32
  }
  func.func @transform_1(%arg0: i32, %arg1: i32) -> (i32, i32, i32) {
    %c0_i32 = arith.constant 0 : i32
    %c0_i32_0 = arith.constant 0 : i32
    return %arg0, %c0_i32, %arg1 : i32, i32, i32
  }
  func.func @transform_2(%arg0: i32, %arg1: i32) -> i32 {
    %c0_i32 = arith.constant 0 : i32
    %c0_i32_0 = arith.constant 0 : i32
    return %c0_i32 : i32
  }
  func.func @transform_3(%arg0: i32, %arg1: i32) -> (i32, i32) {
    %c0_i32 = arith.constant 0 : i32
    %c0_i32_0 = arith.constant 0 : i32
    %c0_i32_1 = arith.constant 0 : i32
    return %c0_i32, %c0_i32_0 : i32, i32
  }
  func.func @transform_4(%arg0: i32, %arg1: i32) -> i32 {
    %c0_i32 = arith.constant 0 : i32
    %c0_i32_0 = arith.constant 0 : i32
    return %c0_i32 : i32
  }
  func.func @transform_5(%arg0: i32, %arg1: i32) -> (i32, i32, i32) {
    %c0_i32 = arith.constant 0 : i32
    %c0_i32_0 = arith.constant 0 : i32
    return %arg0, %arg1, %c0_i32 : i32, i32, i32
  }
  func.func @transform_6(%arg0: i32, %arg1: i32) -> (i32, i32, i32) {
    %c0_i32 = arith.constant 0 : i32
    %c0_i32_0 = arith.constant 0 : i32
    return %arg0, %arg1, %c0_i32 : i32, i32, i32
  }
}

</mosaic_0001>

<sc_bundles>
// kernel: kernel.5.cloned.1.call-start
scs
__scs_entry_jumppad:
0x0: {  	(pc) =	sbr.rel $0x88, $3  }
0x1: {  	(tag) =	ssettag $0x0;
	lr =	simm.s32 $0x1  }
0x2: {  	[smem:$0x3F99] =	sst lr;
	_ =	strace $0xD0000000  }
0x3: {  	_ = 	snop  }
0x4: {  	_ = 	snop  }
0x5: {  	_ = 	snop  }
0x6: {  	_ = 	snop  }
0x7: {  	_ = 	snop  }
__scs_overlays_trampoline_lowered:
0x8: {  	[smem:$0x3FA8] =	sst s0  }
0x9: {  	[smem:$0x3FA9] =	sst s1  }
0xa: {  	[smem:$0x3FAA] =	sst s2  }
0xb: {  	[smem:$0x3FAB] =	sst s3  }
0xc: {  	[smem:$0x3FAC] =	sst s4  }
0xd: {  	[smem:$0x3FAD] =	sst s5  }
0xe: {  	[smem:$0x3FAE] =	sst s6  }
0xf: {  	[smem:$0x3FAF] =	sst s7  }
0x10: {  	[smem:$0x3FB0] =	sst s8  }
0x11: {  	[smem:$0x3FB1] =	sst s9;
	s0 =	simm.s32 @!p0 $0x0  }
0x12: {  	s1 =	sld [smem:$0x3F97];
	s0 =	simm.s32 @p0 $0x1  }
0x13: {  	[smem:$0x3FB2] =	sst s0;
	s0 =	simm.s32 @!p1 $0x0  }
0x14: {  	s2 =	sld [smem:$0x3F96];
	s0 =	simm.s32 @p1 $0x1  }
0x15: {  	[smem:$0x3FB3] =	sst s0;
	s0 =	simm.s32 @!p2 $0x0  }
0x16: {  	s3 =	sld [smem:$0x3FDB];
	s0 =	simm.s32 @p2 $0x1  }
0x17: {  	s4 =	simm.s32 $0x1BF5;
	[smem:$0x3FB5] =	sst s0  }
0x18: {  	s0 =	sld [smem:$0x3F98];
	_ =	swait.ge [sflag:s4], $0x0  }
0x19: {  	s7 =	sld [smem:$0x3F99]  }
0x1a: {  	s8 =	sadd.s32 $0xFFFFE003, lr  }
0x1b: {  	s9 =	sadd.s32 $0xFFFFFEF7, lr;
	s5 =	simm.s32 $0xFFFFFFFF;
	p2 =	slt.u32 s8, $0xFFFFF086  }
0x1c: {  	p1 =	slt.u32 s9, $0xF7A;
	s5 =	simm.s32 @!p2 $0x0  }
0x1d: {  	s5 =	simm.s32 @p1 $0x1;
	p0 =	seq.s32 s7, s2  }
0x1e: {  	s7 =	smul.u32 @!p0 $0xF7A, s2;
	p2 =	seq.s32 @!p0 s5, $0x0  }
0x1f: {  	s9 =	smul.u32 $0xF7A, s1;
	s8 =	simm.s32 @!p0 $0x1BF5;
	p2 =	por !p2, p0  }
0x20: {  	[sflag:s8] =	ssyncset.s32 @!p0 $0xFFFFF086;
	s6 =	sadd.s32 @!p0 s3, s7;
	s7 =	simm.s32 @!p0 $0x108  }
0x21: {  	s3 =	sadd.s32 s3, s9;
	s6 =	sadd.s32 @!p0 $0x88, s6;
	s7 =	simm.s32 @p2 $0x1082  }
0x22: {  	[simem:s7], [sflag:s8] =	dma.local @!p0 [hbm:s6], $0xF7A  }
0x23: {  	s9 =	sor.u32 $0xD0000000, s2;
	s6 =	simm.s32 $0x108;
	_ =	swait.ge @!p0 [sflag:s8], $0x0  }
0x24: {  	s3 =	sadd.s32 $0x88, s3;
	s6 =	simm.s32 @!p1 $0x1082;
	[sflag:s4] =	ssyncset.s32 $0xFFFFF086  }
0x25: {  	[simem:s6], [sflag:s4] =	dma.local [hbm:s3], $0xF7A  }
0x26: {  	[smem:$0x3F99] =	sst s1;
	(tag) =	ssettag s2;
	_ =	strace s9  }
0x27: {  	s1 =	sld [smem:$0x3FA9]  }
0x28: {  	s2 =	sld [smem:$0x3FAA]  }
0x29: {  	s4 =	sld [smem:$0x3FAC]  }
0x2a: {  	p0 =	seq.s32 s5, $0x0;
	s5 =	sld [smem:$0x3FAD]  }
0x2b: {  	s6 =	sld [smem:$0x3FAE]  }
0x2c: {  	s7 =	sld [smem:$0x3FAF]  }
0x2d: {  	s3 =	simm.s32 $0x108;
	s8 =	sld [smem:$0x3FB0]  }
0x2e: {  	s3 =	simm.s32 @!p0 $0x1082;
	s9 =	sld [smem:$0x3FB1]  }
0x2f: {  	lr =	sadd.s32 s0, s3;
	s0 =	sld [smem:$0x3FA8]  }
0x30: {  	s3 =	sld [smem:$0x3FAB]  }
0x31: {  	[smem:$0x3FB4] =	sst s10  }
0x32: {  	s10 =	sld [smem:$0x3FB2];
	_ =	sdelay $0x3  }
0x33: {  	p0 =	seq.s32 s10, $0x1;
	s10 =	sld [smem:$0x3FB4];
	_ =	sdelay $0x3  }
0x34: {  	[smem:$0x3FB4] =	sst s10  }
0x35: {  	s10 =	sld [smem:$0x3FB3];
	_ =	sdelay $0x3  }
0x36: {  	p1 =	seq.s32 s10, $0x1;
	s10 =	sld [smem:$0x3FB4];
	_ =	sdelay $0x3  }
0x37: {  	[smem:$0x3FB4] =	sst s10  }
0x38: {  	s10 =	sld [smem:$0x3FB5]  }
0x39: {  	_ = 	snop;
	(pc) =	sbr.ind lr, $3  }
0x3a: {  	_ = 	snop  }
0x3b: {  	_ = 	snop  }
0x3c: {  	p2 =	seq.s32 s10, $0x1;
	s10 =	sld [smem:$0x3FB4]  }
0x3d: {  	_ =	shalt  }
0x3e: {  	_ =	shalt  }
0x3f: {  	_ =	shalt  }
0x40: {  	_ =	shalt  }
0x41: {  	_ =	shalt  }
0x42: {  	_ =	shalt  }
0x43: {  	_ =	shalt  }
0x44: {  	_ =	shalt  }
0x45: {  	_ =	shalt  }
0x46: {  	_ =	shalt  }
0x47: {  	_ =	shalt  }
0x48: {  	_ =	shalt  }
0x49: {  	_ =	shalt  }
0x4a: {  	_ =	shalt  }
0x4b: {  	_ =	shalt  }
0x4c: {  	_ =	shalt  }
0x4d: {  	_ =	shalt  }
0x4e: {  	_ =	shalt  }
0x4f: {  	_ =	shalt  }
0x50: {  	_ =	shalt  }
0x51: {  	_ =	shalt  }
0x52: {  	_ =	shalt  }
0x53: {  	_ =	shalt  }
0x54: {  	_ =	shalt  }
0x55: {  	_ =	shalt  }
0x56: {  	_ =	shalt  }
0x57: {  	_ =	shalt  }
0x58: {  	_ =	shalt  }
0x59: {  	_ =	shalt  }
0x5a: {  	_ =	shalt  }
0x5b: {  	_ =	shalt  }
0x5c: {  	_ =	shalt  }
0x5d: {  	_ =	shalt  }
0x5e: {  	_ =	shalt  }
0x5f: {  	_ =	shalt  }
0x60: {  	_ =	shalt  }
0x61: {  	_ =	shalt  }
0x62: {  	_ =	shalt  }
0x63: {  	_ =	shalt  }
0x64: {  	_ =	shalt  }
0x65: {  	_ =	shalt  }
0x66: {  	_ =	shalt  }
0x67: {  	_ =	shalt  }
0x68: {  	_ =	shalt  }
0x69: {  	_ =	shalt  }
0x6a: {  	_ =	shalt  }
0x6b: {  	_ =	shalt  }
0x6c: {  	_ =	shalt  }
0x6d: {  	_ =	shalt  }
0x6e: {  	_ =	shalt  }
0x6f: {  	_ =	shalt  }
0x70: {  	_ =	shalt  }
0x71: {  	_ =	shalt  }
0x72: {  	_ =	shalt  }
0x73: {  	_ =	shalt  }
0x74: {  	_ =	shalt  }
0x75: {  	_ =	shalt  }
0x76: {  	_ =	shalt  }
0x77: {  	_ =	shalt  }
0x78: {  	_ =	shalt  }
0x79: {  	_ =	shalt  }
0x7a: {  	_ =	shalt  }
0x7b: {  	_ =	shalt  }
0x7c: {  	_ =	shalt  }
0x7d: {  	_ =	shalt  }
0x7e: {  	_ =	shalt  }
0x7f: {  	_ =	shalt  }
0x80: {  	_ =	shalt  }
0x81: {  	_ =	shalt  }
0x82: {  	_ =	shalt  }
0x83: {  	_ =	shalt  }
0x84: {  	_ =	shalt  }
0x85: {  	_ =	shalt  }
0x86: {  	_ =	shalt  }
0x87: {  	_ =	shalt  }
.Lfunc_end0:
.L_simem_size_0:
called_computation_lowered:
.L_overlay_start_0:
0x88: {  	s2 =	sld [smem:$0x3FD9]  }
0x89: {  	s3 =	sld [smem:$0x3FFE];
	_ =	sdelay $0x1  }
0x8a: {  	s1 =	srdreg.scid  }
0x8b: {  	s0 =	sand.u32 $0x1, s1  }
0x8c: {  	s14 =	sshll.u32 s0, $0xA;
	s2 =	sadd.s32 s3, s2  }
0x8d: {  	s2 =	sadd.s32 s2, s14  }
0x8e: {  	[smem:$0x3FC0] =	sst s2  }
0x8f: {  	_ = 	snop  }
0x90: {  	s2 =	sld [smem:$0x3FD0];
	_ =	sdelay $0x2  }
0x91: {  	s15 =	simm.s32 $0xA;
	s4 =	simm.s32 $0x10  }
0x92: {  	[smem:s4], [sflag:s15] =	dma.local [hbm:s2], $0x1  }
0x93: {  	_ =	swait.eq [sflag:s15], $0x1  }
0x94: {  	[sflag:s15] =	ssyncset.done $0x0  }
0x95: {  	s16 =	sld [smem:$0x10];
	[sflag:s15] =	ssyncadd.s32 $0xFFFFFFFF  }
0x96: {  	s17 =	sld [smem:$0x11];
	(tm) =	ssettm $0x1  }
0x97: {  	s18 =	sld [smem:$0x3FFB];
	_ =	sdelay $0x3  }
0x98: {  	_ =	strace s18  }
0x99: {  	s4 =	sld [smem:$0x3FFC];
	_ =	sdelay $0x3  }
0x9a: {  	_ =	strace s4  }
0x9b: {  	s4 =	sld [smem:$0x3FFD];
	_ =	sdelay $0x3  }
0x9c: {  	_ =	strace s4  }
0x9d: {  	_ =	strace $0x8FFFFFFF  }
0x9e: {  	s19 =	sld [smem:$0x3FDB];
	_ =	sdelay $0x1  }
0x9f: {  	s5 =	simm.s32 $_scs_section_size  }
0xa0: {  	s6 =	simm.s32 $_size__tile_overlayer_lowered;
	s7 =	simm.s32 $_tile_overlayer_lowered  }
0xa1: {  	s22 =	simm.s32 $0x1BFF;
	s21 =	sshll.u32 s7, $0x1;
	s4 =	sadd.s32 s5, s19  }
0xa2: {  	s8 =	simm.s32 $0x0;
	s20 =	sshll.u32 s6, $0x1;
	s6 =	sadd.s32 s21, s4  }
0xa3: {  	[timem:s8], [sflag:s22] =	dma.local [hbm:s6], s20  }
0xa4: {  	_ =	swait.ge [sflag:s22], s20  }
0xa5: {  	s5 =	ssub.s32 $0x0, s20;
	[sflag:s22] =	ssyncset.done $0x0  }
0xa6: {  	[sflag:s22] =	ssyncadd.s32 s5;
	_ =	sdelay $0x1  }
0xa7: {  	s23 =	simm.s32 $0x1B8B  }
0xa8: {  	_ =	swait.ge [sflag:s23], $0x1  }
0xa9: {  	[sflag:s23] =	ssyncset.done $0x0  }
0xaa: {  	s25 =	simm.s32 $0x1B8E;
	s24 =	sld [smem:$0x3FFE];
	[sflag:s23] =	ssyncadd.s32 $0xFFFFFFFF  }
0xab: {  	s26 =	simm.s32 $execute0_lowered;
	[smem:$0x3FD2] =	sst s25  }
0xac: {  	s6 =	sshll.u32 s26, $0x1;
	_ =	strace $0x80000046;
	[dreg:$0x1] =	wrdreg $0xFFFFFFFF  }
0xad: {  	s28 =	simm.s32 $_size_execute0_lowered;
	s4 =	sadd.s32 s4, s6;
	[dreg:$0x0] =	wrdreg $0x0  }
0xae: {  	s6 =	sshll.u32 s28, $0x1;
	[dreg:$0x2] =	wrdreg s4  }
0xaf: {  	[dreg:$0x3] =	wrdreg s6  }
0xb0: {  	[dreg:$0x4] =	wrdreg $0xC0  }
0xb1: {  	_ =	task [dreg:s8], $0x5FFFF  }
0xb2: {  	[dreg:$0x1] =	wrdreg $0xFFFFFFFF  }
0xb3: {  	[dreg:$0x0] =	wrdreg $0x60  }
0xb4: {  	[dreg:$0x2] =	wrdreg s16  }
0xb5: {  	[dreg:$0x3] =	wrdreg s24  }
0xb6: {  	[dreg:$0x4] =	wrdreg s17  }
0xb7: {  	[dreg:$0x5] =	wrdreg $0xB9700  }
0xb8: {  	[dreg:$0x6] =	wrdreg $0x9  }
0xb9: {  	_ =	task.clear_ibuf [dreg:s8], $0x7FFFF;
	_ =	strace $0x90000046  }
0xba: {  	s29 =	simm.s32 $0x9;
	_ =	strace $0x80000053  }
0xbb: {  	_ =	swait.ge [sflag:s29], $0x1  }
0xbc: {  	[sflag:s29] =	ssyncadd.s32 $0xFFFFFFFF  }
0xbd: {  	_ =	strace $0x90000053  }
0xbe: {  	_ =	sfence  }
0xbf: {  	s30 =	sld [smem:$0x0];
	_ =	sdelay $0x2  }
0xc0: {  	s31 =	sshll.u32 s1, $0xD;
	s1 =	sshrl.u32 s1, $0x2  }
0xc1: {  	s3 =	sand.u32 $0x4000, s31;
	s1 =	sadd.s32 s1, s30  }
0xc2: {  	s0 =	sor.u32 s3, s0;
	s1 =	sshll.u32 s1, $0x11  }
0xc3: {  	s0 =	sor.u32 s1, s0  }
0xc4: {  	s0 =	sadd.s32 $0x8F2B, s0  }
0xc5: {  	[sflag:s0] =	ssyncadd.remote.s32 $0x1  }
0xc6: {  	_ =	sfence.sel $0xFFFF  }
0xc7: {  	[dreg:$0x0] =	wrdreg $0xFFFFFFFF;
	(pc) =	sbr.abs _section_cstart, $3  }
0xc8: {  	[dreg:$0x1] =	wrdreg $0xFFFFFFFF  }
0xc9: {  	_ =	task.clear_ibuf [dreg:s8], $0x2FFFF;
	_ =	strace $0x9FFFFFFF  }
0xca: {  	(tm) =	ssettm $0x7FFFFFFF  }
0xcb: {  	_ =	shalt  }
tec
execute0_lowered:
.L_overlay_start_1:
0x0: {  	(tag) =	ssettag $0x1  }
0x1: {  	s1 =	rddreg [dreg:$0x0]  }
0x2: {  	s0 =	rddreg [dreg:$0x1];
	s11 =	stileid.u32  }
0x3: {  	s2 =	srdreg.scid;
	s3 =	smul.u32 $0x14000, s11  }
0x4: {  	s4 =	rddreg [dreg:$0x3];
	s13 =	simm.s32 $0x0;
	s8 =	smul.u32 $0x1400, s11  }
0x5: {  	s23 =	simm.s32 $0x2A20;
	s2 =	sand.u32 $0x1, s2;
	s9 =	smul.u32 $0x50000, s11  }
0x6: {  	s28 =	simm.s32 $0x850;
	[smem:$0x7FF] =	sst s13;
	s5 =	smul.u32 $0x140000, s2  }
0x7: {  	s7 =	sadd.s32 $0x600, s0;
	s6 =	smul.u32 $0x14000, s2;
	_ =	strace $0x80000047  }
0x8: {  	[dreg:$0x5] =	wrdreg s7;
	s7 =	sadd.s32 $0xC00, s0;
	s9 =	sshrl.u32 s9, $0x2  }
0x9: {  	s14 =	sadd.s32 s3, s4;
	s5 =	sadd.s32 s3, s5;
	s6 =	sadd.s32 s8, s6  }
0xa: {  	s8 =	smul.u32 $0x1388, s2;
	s2 =	ssub.s32 $0x2, s2;
	[dreg:$0x7] =	wrdreg s14  }
0xb: {  	s5 =	sshrl.u32 s5, $0x3;
	s6 =	sshrl.u32 s6, $0x3;
	s10 =	sshrl.u32 s2, $0x1  }
0xc: {  	s5 =	sadd.s32 s5, s0;
	s6 =	sadd.s32 s6, s0;
	s26 =	sshrl.u32 s8, $0x3  }
0xd: {  	s2 =	ssub.s32 s2, s10;
	s10 =	sadd.s32 s9, s4;
	s0 =	sadd.s32 s0, s26  }
0xe: {  	s29 =	simm.s32 $0x10A0;
	s12 =	sadd.s32 $0x2000, s10;
	[dreg:$0x6] =	wrdreg s0  }
0xf: {  	s30 =	simm.s32 $0x1920;
	s15 =	sadd.s32 $0x4000, s10;
	[dreg:$0x8] =	wrdreg s12  }
0x10: {  	s31 =	simm.s32 $0x1;
	s16 =	sadd.s32 $0x6000, s10;
	[dreg:$0x9] =	wrdreg s15  }
0x11: {  	s22 =	sadd.s32 $0x1388, s8;
	s17 =	sadd.s32 $0x8000, s10;
	[dreg:$0xa] =	wrdreg s16  }
0x12: {  	v0 =	vmov s8;
	s8 =	simm.s32 $0x21A0;
	s18 =	sadd.s32 $0xA000, s10;
	[dreg:$0xb] =	wrdreg s17  }
0x13: {  	s19 =	sadd.s32 $0xC000, s10;
	s20 =	sadd.s32 $0xE000, s10;
	[dreg:$0xc] =	wrdreg s18  }
0x14: {  	s21 =	sadd.s32 $0x10000, s10;
	s24 =	sadd.s32 $0x56000, s6;
	[dreg:$0xd] =	wrdreg s19  }
0x15: {  	s25 =	sadd.s32 $0x6000, s5;
	s26 =	smax.u32 s2, $0x1;
	[dreg:$0xe] =	wrdreg s20  }
0x16: {  	s2 =	simm.s32 $0x6530;
	s6 =	simm.s32 $0x9930;
	[dreg:$0xf] =	wrdreg s21  }
.Ltmp0:
0x17: {  	s5 =	simm.s32 $0x0;
	[dreg:$0x11] =	wrdreg s24;
	(pc) =	sbr.rel .LBB2_1-.Ltmp0, $4  }
0x18: {  	s0 =	sadd.s32 $0x12000, s10;
	s19 =	smul.u32 $0x2990, s11;
	[dreg:$0x12] =	wrdreg s25  }
0x19: {  	[dreg:$0x13] =	wrdreg s26;
	s24 =	simm.s32 $0x3;
	s25 =	simm.s32 $0x5130  }
0x1a: {  	v2 =	vimm.f32 $0.0e+00;
	s26 =	simm.s32 $0x7930;
	s10 =	simm.s32 $0xB930;
	s11 =	simm.s32 $0x2  }
0x1b: {  	v3 =	vimm.s32 $0x0;
	v4 =	vimm.s32 $0x1388;
	v1 =	vmov s22;
	s12 =	simm.s32 $0xB950;
	[dreg:$0x10] =	wrdreg s0;
	s0 =	simm.s32 $0x20  }
.LBB2_24:
0x1c: {  	s13 =	simm.s32 $0x0;
	s3 =	rddreg [dreg:$0x11]  }
0x1d: {  	[hbm4b:s3+s13] =	stream.linear.scatter [tilespmem:s2], [sflag:$0x3], $0x1400, $0x38;
	[tilespmem:$0x1F970] =	vst v63  }
0x1e: {  	_ =	swait.ge [sflag:s24], $0x1400  }
0x1f: {  	[sflag:s24] =	ssyncset.done $0x0  }
0x20: {  	[sflag:s24] =	ssyncadd.s32 $0xFFFFEC00  }
0x21: {  	s20 =	stileid.u32;
	[bflag:$0x0] =	sbarrier.arrive $0xFFFF  }
0x22: {  	s3 =	sshll.u32 s20, $0x6;
	s14 =	rddreg [dreg:$0x7]  }
0x23: {  	s3 =	sor.u32 $0x1C03, s3;
	s9 =	rddreg [dreg:$0x12];
	s5 =	sshrl.u32 s14, $0x3  }
0x24: {  	[hbm:s9], [sflag:s3] =	dma.local [spmem:s5], $0x2800  }
0x25: {  	_ =	swait.ge [sflag:s24], $0x2800  }
0x26: {  	s21 =	rddreg [dreg:$0x14]  }
0x27: {  	s22 =	rddreg [dreg:$0x13];
	s5 =	sadd.s32 $0x1, s21  }
0x28: {  	p0 =	sne.s32 s5, s22  }
.Ltmp1:
0x29: {  	_ = 	snop;
	(pc) =	sbr.rel @!p0 .LBB2_25-.Ltmp1, $3  }
0x2a: {  	_ =	sdelay $0x1  }
0x2b: {  	[sflag:s24] =	ssyncset.done $0x0  }
0x2c: {  	[sflag:s24] =	ssyncadd.s32 $0xFFFFD800  }
.LBB2_1:
0x2d: {  	[dreg:$0x14] =	wrdreg s5  }
0x2e: {  	s3 =	rddreg [dreg:$0x5]  }
0x2f: {  	[tilespmem:s23], [sflag:$0x3] =	stream.linear.gather [hbm4b:s3+s13], $0x2710, $0x38;
	[tilespmem:$0x1F970] =	vst v63  }
0x30: {  	_ =	swait.ge [sflag:s24], $0x2710  }
0x31: {  	[sflag:s24] =	ssyncset.done $0x0  }
0x32: {  	[sflag:s24] =	ssyncadd.s32 $0xFFFFD8F0  }
0x33: {  	[tilespmem:$0x64B0] =	vst v2  }
0x34: {  	[tilespmem:$0x64C0] =	vst v2  }
0x35: {  	[tilespmem:$0x64D0] =	vst v2  }
0x36: {  	[tilespmem:$0x64E0] =	vst v2  }
0x37: {  	[tilespmem:$0x64F0] =	vst v2  }
0x38: {  	[tilespmem:$0x6500] =	vst v2  }
0x39: {  	[tilespmem:$0x6510] =	vst v2  }
0x3a: {  	s22 =	rddreg [dreg:$0x6];
	[tilespmem:$0x6520] =	vst v2  }
0x3b: {  	[tilespmem:s25], [sflag:$0x3] =	stream.linear.gather [hbm4b:s22+s13], $0x1388, $0x38;
	[tilespmem:$0x1F970] =	vst v63  }
0x3c: {  	_ =	swait.ge [sflag:s24], $0x1388  }
0x3d: {  	[sflag:s24] =	ssyncset.done $0x0  }
0x3e: {  	s3 =	simm.s32 $0x0;
	[sflag:s24] =	ssyncadd.s32 $0xFFFFEC78  }
.LBB2_2:
0x3f: {  	p0 =	sne.s32 s3, $0x4FC0  }
.Ltmp2:
0x40: {  	_ = 	snop;
	(pc) =	sbr.rel @p0 .LBB2_2-.Ltmp2, $3  }
0x41: {  	_ =	sdelay $0x1  }
0x42: {  	s5 =	sshra.s32 s3, $0x2  }
0x43: {  	s3 =	sadd.s32 $0x40, s3;
	[tilespmem:s5+$0x6530] =	vst v2  }
0x44: {  	s5 =	simm.s32 $0x0  }
0x45: {  	s3 =	sand.u32 $0x7C00, s5  }
0x46: {  	s9 =	sand.u32 $0xF0, s5;
	s13 =	sshrl.u32 s3, $0x2  }
0x47: {  	s3 =	simm.s32 $0x40;
	s9 =	sor.u32 s9, s13  }
.LBB2_4:
0x48: {  	p0 =	sne.s32 s3, $0x7FC0  }
0x49: {  	[tilespmem:s9+$0x7930] =	vst v2;
	s5 =	sadd.s32 $0x10, s5;
	s9 =	smov.u32 s3;
	s3 =	sadd.s32 $0x40, s3  }
.Ltmp3:
0x4a: {  	(pc) =	sbr.rel @p0 .LBB2_4-.Ltmp3, $4  }
0x4b: {  	_ = 	snop  }
0x4c: {  	s9 =	sand.u32 $0x7C00, s9  }
0x4d: {  	s13 =	sand.u32 $0xF0, s5;
	s9 =	sshrl.u32 s9, $0x2  }
0x4e: {  	s9 =	sor.u32 s13, s9  }
0x4f: {  	[tilespmem:s9+$0x7930] =	vst v2  }
0x50: {  	[spmem:s14] =	stream.linear.scatter [tilespmem:s26], [sflag:$0x3], $0x2000, $0x38;
	[tilespmem:$0x1F970] =	vst v63  }
0x51: {  	_ =	swait.ge [sflag:s24], $0x2000  }
0x52: {  	[sflag:s24] =	ssyncset.done $0x0  }
0x53: {  	s3 =	rddreg [dreg:$0x8];
	[sflag:s24] =	ssyncadd.s32 $0xFFFFE000  }
0x54: {  	[spmem:s3] =	stream.linear.scatter [tilespmem:s26], [sflag:$0x3], $0x2000, $0x38;
	[tilespmem:$0x1F970] =	vst v63  }
0x55: {  	_ =	swait.ge [sflag:s24], $0x2000  }
0x56: {  	[sflag:s24] =	ssyncset.done $0x0  }
0x57: {  	s14 =	rddreg [dreg:$0x9];
	[sflag:s24] =	ssyncadd.s32 $0xFFFFE000  }
0x58: {  	[spmem:s14] =	stream.linear.scatter [tilespmem:s26], [sflag:$0x3], $0x2000, $0x38;
	[tilespmem:$0x1F970] =	vst v63  }
0x59: {  	_ =	swait.ge [sflag:s24], $0x2000  }
0x5a: {  	[sflag:s24] =	ssyncset.done $0x0  }
0x5b: {  	s15 =	rddreg [dreg:$0xa];
	[sflag:s24] =	ssyncadd.s32 $0xFFFFE000  }
0x5c: {  	[spmem:s15] =	stream.linear.scatter [tilespmem:s26], [sflag:$0x3], $0x2000, $0x38;
	[tilespmem:$0x1F970] =	vst v63  }
0x5d: {  	_ =	swait.ge [sflag:s24], $0x2000  }
0x5e: {  	[sflag:s24] =	ssyncset.done $0x0  }
0x5f: {  	s16 =	rddreg [dreg:$0xb];
	[sflag:s24] =	ssyncadd.s32 $0xFFFFE000  }
0x60: {  	[spmem:s16] =	stream.linear.scatter [tilespmem:s26], [sflag:$0x3], $0x2000, $0x38;
	[tilespmem:$0x1F970] =	vst v63  }
0x61: {  	_ =	swait.ge [sflag:s24], $0x2000  }
0x62: {  	[sflag:s24] =	ssyncset.done $0x0  }
0x63: {  	s17 =	rddreg [dreg:$0xc];
	[sflag:s24] =	ssyncadd.s32 $0xFFFFE000  }
0x64: {  	[spmem:s17] =	stream.linear.scatter [tilespmem:s26], [sflag:$0x3], $0x2000, $0x38;
	[tilespmem:$0x1F970] =	vst v63  }
0x65: {  	_ =	swait.ge [sflag:s24], $0x2000  }
0x66: {  	[sflag:s24] =	ssyncset.done $0x0  }
0x67: {  	s18 =	rddreg [dreg:$0xd];
	[sflag:s24] =	ssyncadd.s32 $0xFFFFE000  }
0x68: {  	[spmem:s18] =	stream.linear.scatter [tilespmem:s26], [sflag:$0x3], $0x2000, $0x38;
	[tilespmem:$0x1F970] =	vst v63  }
0x69: {  	_ =	swait.ge [sflag:s24], $0x2000  }
0x6a: {  	[sflag:s24] =	ssyncset.done $0x0  }
0x6b: {  	s20 =	rddreg [dreg:$0xe];
	[sflag:s24] =	ssyncadd.s32 $0xFFFFE000  }
0x6c: {  	[spmem:s20] =	stream.linear.scatter [tilespmem:s26], [sflag:$0x3], $0x2000, $0x38;
	[tilespmem:$0x1F970] =	vst v63  }
0x6d: {  	_ =	swait.ge [sflag:s24], $0x2000  }
0x6e: {  	[sflag:s24] =	ssyncset.done $0x0  }
0x6f: {  	s21 =	rddreg [dreg:$0xf];
	[sflag:s24] =	ssyncadd.s32 $0xFFFFE000  }
0x70: {  	[spmem:s21] =	stream.linear.scatter [tilespmem:s26], [sflag:$0x3], $0x2000, $0x38;
	[tilespmem:$0x1F970] =	vst v63  }
0x71: {  	_ =	swait.ge [sflag:s24], $0x2000  }
0x72: {  	[sflag:s24] =	ssyncset.done $0x0  }
0x73: {  	s22 =	rddreg [dreg:$0x10];
	[sflag:s24] =	ssyncadd.s32 $0xFFFFE000  }
0x74: {  	[spmem:s22] =	stream.linear.scatter [tilespmem:s26], [sflag:$0x3], $0x2000, $0x38;
	[tilespmem:$0x1F970] =	vst v63  }
.Ltmp4:
0x75: {  	_ =	swait.ge [sflag:s24], $0x2000;
	(pc) =	sbr.rel .LBB2_6-.Ltmp4, $4  }
0x76: {  	[sflag:s24] =	ssyncset.done $0x0  }
0x77: {  	[sflag:s24] =	ssyncadd.s32 $0xFFFFE000  }
0x78: {  	[bflag:$0x0] =	sbarrier.arrive $0xFFFF  }
0x79: {  	s14 =	simm.s32 $0x0;
	s15 =	simm.s32 $0x0  }
.LBB2_23:
0x7a: {  	s15 =	sadd.s32 $0x1, s15  }
0x7b: {  	p0 =	sne.s32 s15, $0x5  }
.Ltmp5:
0x7c: {  	_ = 	snop;
	(pc) =	sbr.rel @!p0 .LBB2_24-.Ltmp5, $2  }
0x7d: {  	_ =	sdelay $0x2  }
0x7e: {  	_ =	strace $0x9000004C  }
.LBB2_6:
0x7f: {  	s3 =	smul.u32 $0x850, s15;
	_ =	sdelay $0x1  }
0x80: {  	_ =	strace $0x80000048;
	s3 =	sadd.s32 s19, s3  }
0x81: {  	s5 =	rddreg [dreg:$0x2];
	s3 =	sshrl.u32 s3, $0x3  }
0x82: {  	s5 =	sadd.s32 s5, s3  }
0x83: {  	[tilespmem:s14], [sflag:$0x3] =	stream.linear.gather [hbm4b:s5+s14], $0x850, $0x200038;
	[tilespmem:$0x1F970] =	vst v63  }
0x84: {  	_ =	swait.ge [sflag:s24], $0x850  }
0x85: {  	[sflag:s24] =	ssyncset.done $0x0  }
0x86: {  	s3 =	sadd.s32 s7, s3;
	[sflag:s24] =	ssyncadd.s32 $0xFFFFF7B0  }
0x87: {  	[tilespmem:s28], [sflag:$0x3] =	stream.linear.gather [hbm4b:s3+s14], $0x850, $0x200038;
	[tilespmem:$0x1F970] =	vst v63  }
0x88: {  	_ =	swait.ge [sflag:s24], $0x850  }
0x89: {  	[sflag:s24] =	ssyncset.done $0x0  }
0x8a: {  	[sflag:s24] =	ssyncadd.s32 $0xFFFFF7B0  }
0x8b: {  	_ =	strace $0x90000048  }
0x8c: {  	s5 =	simm.s32 $0x0;
	s3 =	simm.s32 $0x40;
	_ =	strace $0x80000049  }
.LBB2_7:
0x8d: {  	p0 =	sne.s32 s3, $0x21C0;
	[tilespmem:s5+$0x10A0] =	vst v3;
	s9 =	smov.u32 s3;
	s3 =	sadd.s32 $0x40, s3  }
.Ltmp6:
0x8e: {  	[tilespmem:s5+$0x1920] =	vst v4;
	(pc) =	sbr.rel @p0 .LBB2_7-.Ltmp6, $2  }
0x8f: {  	_ =	sdelay $0x2  }
0x90: {  	s5 =	sshra.s32 s9, $0x2  }
0x91: {  	[tilespmem:s5+$0x10A0] =	vst v3  }
0x92: {  	[tilespmem:s5+$0x1920] =	vst v4  }
0x93: {  	_ =	strace $0x90000049  }
0x94: {  	s3 =	simm.s32 $0x0;
	_ =	strace $0x8000004A  }
0x95: {  	v5 =	vld [tilespmem:s3+$0x850];
	_ =	sdelay $0x4  }
0x96: {  	vm0 =	vge.s32 v5, v0;
	vm1 =	vlt.s32 v5, v1  }
0x97: {  	vm0 =	vmand vm0, vm1  }
0x98: {  	v6 =	vsel vm0, $0x1, v3  }
0x99: {  	(xrf0) =	vadd.scan.msk.s32 $0xffff, v6;
	_ =	sdelay $0x5  }
0x9a: {  	s22 =	simm.s32 $0x0;
	v6, _, _ =	vpop (xrf0)  }
0x9b: {  	v6 =	vadd.s32 s22, v6  }
0x9c: {  	v8 =	vadd.s32 $0xFFFFFFFF, v6;
	v6 =	vadd.s32 $0x7FFFFFFF, v6  }
0x9d: {  	(xrf0) =	vmax.scan.msk.u32 $0xffff, v6;
	_ =	sdelay $0x1  }
0x9e: {  	v7 =	vld [tilespmem:s3+$0x0];
	_ =	sdelay $0x3  }
0x9f: {  	v6, _, _ =	vpop (xrf0)  }
0xa0: {  	v5 =	vsub.s32 v5, v0;
	[tilespmem:v8+s29+$0x0] =	vst.idx.msk vm0, v7;
	(v2sf) =	vpush v6, $0xF  }
0xa1: {  	s13 =	simm.s32 $0x10;
	[tilespmem:v8+s30+$0x0] =	vst.idx.msk vm0, v5  }
0xa2: {  	v5 =	vld [tilespmem:s13+$0x850];
	_ =	sdelay $0x4  }
0xa3: {  	vm0 =	vge.s32 v5, v0;
	vm1 =	vlt.s32 v5, v1  }
0xa4: {  	vm0 =	vmand vm0, vm1  }
0xa5: {  	s5 =	simm.s32 $0x80;
	s9 =	simm.s32 $0xC0;
	v6 =	vsel vm0, $0x1, v3  }
.LBB2_9:
0xa6: {  	p0 =	sne.s32 s9, $0x2100;
	(xrf0) =	vadd.scan.msk.s32 $0xffff, v6;
	_ =	sdelay $0x4  }
0xa7: {  	s3 =	spop (v2sf)  }
0xa8: {  	v6, _, _ =	vpop (xrf0);
	s3 =	sadd.s32 $0x80000001, s3  }
0xa9: {  	v6 =	vadd.s32 s3, v6  }
0xaa: {  	v7 =	vld [tilespmem:s13+$0x0];
	v8 =	vadd.s32 $0xFFFFFFFF, v6;
	v6 =	vadd.s32 $0x7FFFFFFF, v6  }
0xab: {  	(xrf0) =	vmax.scan.msk.u32 $0xffff, v6;
	_ =	sdelay $0x3  }
0xac: {  	v6 =	vsub.s32 v5, v0;
	[tilespmem:v8+s29+$0x0] =	vst.idx.msk vm0, v7  }
0xad: {  	[tilespmem:v8+s30+$0x0] =	vst.idx.msk vm0, v6  }
0xae: {  	v5, _, _ =	vpop (xrf0)  }
0xaf: {  	(v2sf) =	vpush v5, $0xF  }
0xb0: {  	s13 =	sshra.s32 s5, $0x2;
	s5 =	smov.u32 s9  }
0xb1: {  	v5 =	vld [tilespmem:s13+$0x850];
	_ =	sdelay $0x2  }
.Ltmp7:
0xb2: {  	(pc) =	sbr.rel @p0 .LBB2_9-.Ltmp7, $4  }
0xb3: {  	_ = 	snop  }
0xb4: {  	vm0 =	vge.s32 v5, v0;
	vm1 =	vlt.s32 v5, v1  }
0xb5: {  	vm0 =	vmand vm0, vm1  }
0xb6: {  	s9 =	sadd.s32 $0x40, s9;
	v6 =	vsel vm0, $0x1, v3  }
0xb7: {  	(xrf0) =	vadd.scan.msk.s32 $0xffff, v6;
	_ =	sdelay $0x4  }
0xb8: {  	s3 =	spop (v2sf)  }
0xb9: {  	v6, _, _ =	vpop (xrf0);
	s3 =	sadd.s32 $0x80000001, s3  }
0xba: {  	v6 =	vadd.s32 s3, v6  }
0xbb: {  	v7 =	vadd.s32 $0x7FFFFFFF, v6  }
0xbc: {  	(xrf0) =	vmax.scan.msk.u32 $0xffff, v7;
	_ =	sdelay $0x1  }
0xbd: {  	v6 =	vadd.s32 $0xFFFFFFFF, v6;
	v7 =	vld [tilespmem:s13+$0x0];
	_ =	sdelay $0x3  }
0xbe: {  	v8, _, _ =	vpop (xrf0)  }
0xbf: {  	v5 =	vsub.s32 v5, v0;
	[tilespmem:v6+s29+$0x0] =	vst.idx.msk vm0, v7;
	(v2sf) =	vpush v8, $0xF  }
0xc0: {  	s17 =	sshra.s32 s5, $0x2;
	[tilespmem:v6+s30+$0x0] =	vst.idx.msk vm0, v5  }
0xc1: {  	v5 =	vld [tilespmem:s17+$0x850];
	_ =	sdelay $0x4  }
0xc2: {  	vm15 =	vge.s32 v5, v0;
	vm1 =	vlt.s32 v5, v1  }
0xc3: {  	vm0 =	vmand vm15, vm1  }
0xc4: {  	v6 =	vsel vm0, $0x1, v3  }
0xc5: {  	(xrf0) =	vadd.scan.msk.s32 $0xffff, v6;
	_ =	sdelay $0x4  }
0xc6: {  	s18 =	spop (v2sf)  }
0xc7: {  	v6, _, _ =	vpop (xrf0);
	s5 =	sadd.s32 $0x80000001, s18  }
0xc8: {  	v6 =	vadd.s32 s5, v6  }
0xc9: {  	v7 =	vadd.s32 $0x7FFFFFFF, v6  }
0xca: {  	(xrf0) =	vmax.scan.msk.u32 $0xffff, v7;
	_ =	sdelay $0x5  }
0xcb: {  	v7, _, _ =	vpop (xrf0)  }
0xcc: {  	(v2sf) =	vpush v7, $0xF;
	_ =	sdelay $0xe  }
0xcd: {  	s16 =	spop (v2sf)  }
0xce: {  	s20 =	sadd.s32 $0x80000010, s16;
	s21 =	sand.u32 $0xF, s16  }
0xcf: {  	p0 =	sne.s32 s21, $0x0;
	s22 =	sshra.s32 s20, $0x1F;
	p1 =	slt.s32 s20, $0x1  }
0xd0: {  	s5 =	sshrl.u32 s22, $0x1C;
	p0 =	por !p1, !p0  }
0xd1: {  	v6 =	vadd.s32 $0xFFFFFFFF, v6;
	v7 =	vld [tilespmem:s17+$0x0];
	s3 =	sadd.s32 s5, s20;
	p0 =	por !p0, !p0;
	s5 =	simm.s32 $0x1  }
0xd2: {  	s3 =	sshra.s32 s3, $0x4;
	s5 =	simm.s32 @!p0 $0x0  }
0xd3: {  	s3 =	ssub.s32 s3, s5  }
0xd4: {  	p0 =	slt.s32 s3, $0x1  }
.Ltmp8:
0xd5: {  	_ = 	snop;
	(pc) =	sbr.rel @p0 .LBB2_17-.Ltmp8, $4  }
0xd6: {  	v5 =	vsub.s32 v5, v0;
	[tilespmem:v6+s29+$0x0] =	vst.idx.msk vm0, v7  }
0xd7: {  	[tilespmem:v6+s30+$0x0] =	vst.idx.msk vm0, v5  }
0xd8: {  	_ =	strace $0x9000004A  }
0xd9: {  	_ =	strace $0x8000004B  }
0xda: {  	p1 =	sne.s32 s3, $0x1  }
.Ltmp9:
0xdb: {  	_ = 	snop;
	(pc) =	sbr.rel @!p1 .LBB2_12-.Ltmp9, $4  }
0xdc: {  	_ = 	snop  }
0xdd: {  	s5 =	simm.s32 $0x1920  }
0xde: {  	s9 =	simm.s32 $0x10A0;
	v5 =	vld [tilespmem:s5+$0x0]  }
0xdf: {  	s3 =	sadd.s32 $0xFFFFFFFF, s3;
	p0 =	por $0x0, $0x0;
	s5 =	simm.s32 $0x21A0;
	v6 =	vld [tilespmem:s9+$0x0]  }
0xe0: {  	_ =	sdelay $0x6  }
0xe1: {  	v7 =	vld.idx.msk [tilespmem:v5+s25+$0x0], $0xffff  }
0xe2: {  	v6 =	vld.idx.msk [tilespmem:v6+s23+$0x0], $0xffff;
	_ =	sdelay $0x4  }
0xe3: {  	v6 =	vadd.f32 v7, v6;
	_ =	sdelay $0x1  }
0xe4: {  	v7 =	vmul.f32 $2.000000030e-01, v6  }
0xe5: {  	vm0 =	vge.f32 v6, $0.0e+00  }
0xe6: {  	v6 =	vsel vm0, v6, v7  }
0xe7: {  	v6 =	vmul.f32 $1.442695020e+00, v6;
	_ =	sdelay $0x1  }
0xe8: {  	(erf) = vpow2.f32 v6;
	_ =	sdelay $0x8  }
0xe9: {  	p1 =	sne.s32 s3, $0x1;
	v6 =	vpop (erf)  }
.Ltmp10:
0xea: {  	[tilespmem:s5+$0x0] =	vst v6;
	(pc) =	sbr.rel @!p1 .LBB2_14-.Ltmp10, $4  }
0xeb: {  	s13 =	simm.s32 $0x1930;
	[tilespmem:v5+s2+$0x0] =	vst.idx.add.f32.msk $0xffff, v6  }
0xec: {  	s17 =	simm.s32 $0x10B0;
	v5 =	vld [tilespmem:s13+$0x0]  }
0xed: {  	v6 =	vld [tilespmem:s17+$0x0]  }
0xee: {  	s18 =	sadd.s32 $0xFFFFFFFF, s3;
	p0 =	por $0x1, $0x1;
	s9 =	simm.s32 $0x21A0  }
.LBB2_15:
0xef: {  	p1 =	sne.s32 s18, $0x1;
	_ =	sdelay $0x4  }
0xf0: {  	v7 =	vld.idx.msk [tilespmem:v5+s25+$0x0], $0xffff  }
0xf1: {  	v6 =	vld.idx.msk [tilespmem:v6+s23+$0x0], $0xffff;
	_ =	sdelay $0x5  }
0xf2: {  	v6 =	vadd.f32 v7, v6;
	_ =	sdelay $0x1  }
0xf3: {  	v7 =	vmul.f32 $2.000000030e-01, v6  }
0xf4: {  	vm0 =	vge.f32 v6, $0.0e+00  }
0xf5: {  	v6 =	vsel vm0, v6, v7  }
0xf6: {  	v6 =	vmul.f32 $1.442695020e+00, v6;
	_ =	sdelay $0x1  }
0xf7: {  	(erf) = vpow2.f32 v6;
	_ =	sdelay $0x8  }
0xf8: {  	s9 =	sadd.s32 $0x10, s9;
	v6 =	vpop (erf)  }
.Ltmp11:
0xf9: {  	[tilespmem:s9+$0x0] =	vst v6;
	(pc) =	sbr.rel @p1 .LBB2_15-.Ltmp11, $4  }
0xfa: {  	s13 =	sadd.s32 $0x10, s13;
	[tilespmem:v5+s2+$0x0] =	vst.idx.add.f32.msk $0xffff, v6  }
0xfb: {  	s17 =	sadd.s32 $0x10, s17;
	v5 =	vld [tilespmem:s13+$0x0]  }
0xfc: {  	v6 =	vld [tilespmem:s17+$0x0]  }
0xfd: {  	s18 =	sadd.s32 $0xFFFFFFFF, s18  }
.LBB2_16:
0xfe: {  	_ =	sdelay $0x5  }
0xff: {  	v7 =	vld.idx.msk [tilespmem:v5+s25+$0x0], $0xffff  }
0x100: {  	v6 =	vld.idx.msk [tilespmem:v6+s23+$0x0], $0xffff;
	_ =	sdelay $0x4  }
0x101: {  	v6 =	vadd.f32 v7, v6;
	_ =	sdelay $0x1  }
0x102: {  	v7 =	vmul.f32 $2.000000030e-01, v6  }
0x103: {  	vm0 =	vge.f32 v6, $0.0e+00  }
0x104: {  	v6 =	vsel vm0, v6, v7  }
0x105: {  	v6 =	vmul.f32 $1.442695020e+00, v6;
	_ =	sdelay $0x1  }
0x106: {  	(erf) = vpow2.f32 v6;
	_ =	sdelay $0x7  }
0x107: {  	s3 =	sadd.s32 @p0 $0x10, s9  }
0x108: {  	s5 =	smov.u32 @p0 s3;
	v6 =	vpop (erf)  }
0x109: {  	[tilespmem:s5+$0x0] =	vst v6  }
0x10a: {  	[tilespmem:v5+s2+$0x0] =	vst.idx.add.f32.msk $0xffff, v6  }
.LBB2_17:
0x10b: {  	s3 =	sadd.s32 $0x80000040, s16;
	s5 =	sand.u32 $0x3F, s16  }
0x10c: {  	s9 =	sshra.s32 s3, $0x1F;
	p0 =	slt.s32 s3, $0x1;
	p1 =	sne.s32 s5, $0x0  }
0x10d: {  	s22 =	sshrl.u32 s9, $0x1A;
	p0 =	por !p0, !p1  }
0x10e: {  	s5 =	simm.s32 $0x1;
	s3 =	sadd.s32 s22, s3;
	p0 =	por !p0, !p0  }
0x10f: {  	s3 =	sshra.s32 s3, $0x6;
	s5 =	simm.s32 @!p0 $0x0  }
0x110: {  	s16 =	ssub.s32 s3, s5  }
0x111: {  	p0 =	slt.s32 s16, $0x1  }
.Ltmp12:
0x112: {  	_ = 	snop;
	(pc) =	sbr.rel @p0 .LBB2_23-.Ltmp12, $3  }
0x113: {  	_ =	sdelay $0x1  }
0x114: {  	_ =	strace $0x9000004B;
	s17 =	simm.s32 $0x0  }
0x115: {  	s18 =	simm.s32 $0x20;
	s20 =	simm.s32 $0x0;
	_ =	strace $0x8000004C  }
.LBB2_18:
0x116: {  	s21 =	sshll.u32 s20, $0x6  }
0x117: {  	s3 =	sadd.s32 $0x10A0, s21  }
0x118: {  	[tilespmem:s26], [sflag:$0x1] =	stream.indirect.gather [hbm4b:s1+s0], $0x100, s3, s0, $0x2000b8;
	[tilespmem:$0x1F970] =	vst v63  }
0x119: {  	s13 =	sadd.s32 $0x10C0, s21  }
0x11a: {  	[tilespmem:s6], [sflag:$0x2] =	stream.indirect.gather [hbm4b:s1+s0], $0x100, s13, s0, $0x2000b8;
	[tilespmem:$0x1F970] =	vst v63  }
0x11b: {  	s22 =	sadd.s32 $0x0, s17;
	_ =	strace $0x8000004D  }
0x11c: {  	v5 =	vmov s22;
	_ =	swait.ge [sflag:s31], $0x2000  }
0x11d: {  	[sflag:s31] =	ssyncset.done $0x0  }
0x11e: {  	[sflag:s31] =	ssyncadd.s32 $0xFFFFE000  }
0x11f: {  	_ =	strace $0x9000004D  }
0x120: {  	_ =	strace $0x8000004E  }
0x121: {  	s5 =	simm.s32 $0x79B0;
	v5 =	vld.idx.msk [tilespmem:v5+s8+$0x0], $0xffff  }
0x122: {  	v6 =	vld [tilespmem:s5+$0x70]  }
0x123: {  	v7 =	vld [tilespmem:s5+$0xFFFFFF80]  }
0x124: {  	v10 =	vld [tilespmem:s5+$0xFFFFFFA0]  }
0x125: {  	v8 =	vld [tilespmem:s5+$0xFFFFFF90]  }
0x126: {  	v11 =	vld [tilespmem:s5+$0xFFFFFFB0]  }
0x127: {  	v12 =	vld [tilespmem:s5+$0xFFFFFFC0];
	v13 =	vmul.f32 v6, v5  }
0x128: {  	v9 =	vld [tilespmem:s5+$0xFFFFFFD0];
	v7 =	vmul.f32 v7, v5  }
0x129: {  	v6 =	vld [tilespmem:s5+$0xFFFFFFE0];
	v10 =	vmul.f32 v10, v5;
	[tilespmem:s5+$0x70] =	vst v13  }
0x12a: {  	v13 =	vmul.f32 v8, v5;
	[tilespmem:s5+$0xFFFFFF80] =	vst v7;
	v8 =	vld [tilespmem:s5+$0xFFFFFFF0]  }
0x12b: {  	s9 =	simm.s32 $0x79B0;
	v11 =	vmul.f32 v11, v5;
	v7 =	vld [tilespmem:s5+$0x0];
	[tilespmem:s5+$0xFFFFFFA0] =	vst v10  }
0x12c: {  	s22 =	sor.u32 $0x20, s21;
	s3 =	sadd.s32 $0x1, s17;
	s13 =	simm.s32 $0x2;
	v12 =	vmul.f32 v12, v5;
	v10 =	vld [tilespmem:s5+$0x10];
	[tilespmem:s5+$0xFFFFFF90] =	vst v13  }
.LBB2_19:
0x12d: {  	p0 =	sne.s32 s13, $0x1F;
	v13 =	vmov s3;
	[tilespmem:s5+$0xFFFFFFB0] =	vst v11;
	v9 =	vmul.f32 v9, v5;
	v11 =	vld [tilespmem:s5+$0x20]  }
0x12e: {  	[tilespmem:s5+$0xFFFFFFC0] =	vst v12;
	v6 =	vmul.f32 v6, v5;
	v12 =	vld [tilespmem:s5+$0x30]  }
0x12f: {  	[tilespmem:s5+$0xFFFFFFD0] =	vst v9;
	v8 =	vmul.f32 v8, v5;
	v9 =	vld [tilespmem:s5+$0x40]  }
0x130: {  	[tilespmem:s5+$0xFFFFFFE0] =	vst v6;
	v6 =	vmul.f32 v7, v5;
	v7 =	vld [tilespmem:s5+$0x50]  }
0x131: {  	[tilespmem:s5+$0xFFFFFFF0] =	vst v8;
	v8 =	vmul.f32 v10, v5;
	v10 =	vld [tilespmem:s5+$0x60]  }
0x132: {  	s5 =	sadd.s32 $0x100, s5;
	v13 =	vld.idx.msk [tilespmem:v13+s8+$0x0], $0xffff;
	[tilespmem:s9+$0x0] =	vst v6;
	v6 =	vmul.f32 v11, v5  }
0x133: {  	v11 =	vld [tilespmem:s5+$0x70];
	[tilespmem:s9+$0x10] =	vst v8;
	v8 =	vmul.f32 v12, v5  }
0x134: {  	v12 =	vld [tilespmem:s5+$0xFFFFFF80];
	[tilespmem:s9+$0x20] =	vst v6;
	v6 =	vmul.f32 v9, v5  }
0x135: {  	v14 =	vld [tilespmem:s5+$0xFFFFFF90];
	[tilespmem:s9+$0x30] =	vst v8;
	v7 =	vmul.f32 v7, v5  }
0x136: {  	v8 =	vld [tilespmem:s5+$0xFFFFFFA0];
	[tilespmem:s9+$0x40] =	vst v6;
	v6 =	vmul.f32 v10, v5  }
0x137: {  	v10 =	vld [tilespmem:s5+$0xFFFFFFB0];
	[tilespmem:s9+$0x50] =	vst v7  }
0x138: {  	v5 =	vmov v13;
	v15 =	vld [tilespmem:s5+$0xFFFFFFC0];
	v7 =	vmul.f32 v11, v13;
	[tilespmem:s9+$0x60] =	vst v6;
	s9 =	smov.u32 s5  }
.Ltmp13:
0x139: {  	v11 =	vmul.f32 v12, v5;
	v9 =	vld [tilespmem:s5+$0xFFFFFFD0];
	(pc) =	sbr.rel @p0 .LBB2_19-.Ltmp13, $4  }
0x13a: {  	v12 =	vmul.f32 v14, v5;
	v6 =	vld [tilespmem:s5+$0xFFFFFFE0];
	[tilespmem:s5+$0x70] =	vst v7  }
0x13b: {  	[tilespmem:s5+$0xFFFFFF80] =	vst v11;
	v13 =	vmul.f32 v8, v5;
	v8 =	vld [tilespmem:s5+$0xFFFFFFF0]  }
0x13c: {  	[tilespmem:s5+$0xFFFFFF90] =	vst v12;
	v11 =	vmul.f32 v10, v5;
	v7 =	vld [tilespmem:s5+$0x0]  }
0x13d: {  	s3 =	sadd.s32 s13, s17;
	s13 =	sadd.s32 $0x1, s13;
	[tilespmem:s5+$0xFFFFFFA0] =	vst v13;
	v12 =	vmul.f32 v15, v5;
	v10 =	vld [tilespmem:s5+$0x10]  }
0x13e: {  	v9 =	vmul.f32 v9, v5  }
0x13f: {  	[tilespmem:s5+$0xFFFFFFB0] =	vst v11;
	v11 =	vld [tilespmem:s5+$0x20]  }
0x140: {  	v13 =	vld [tilespmem:s5+$0x40];
	v6 =	vmul.f32 v6, v5;
	[tilespmem:s5+$0xFFFFFFD0] =	vst v9;
	v9 =	vmov s3  }
0x141: {  	[tilespmem:s5+$0xFFFFFFC0] =	vst v12;
	v12 =	vld [tilespmem:s5+$0x30];
	v8 =	vmul.f32 v8, v5  }
0x142: {  	[tilespmem:s5+$0xFFFFFFE0] =	vst v6;
	v6 =	vld [tilespmem:s5+$0x50];
	v7 =	vmul.f32 v7, v5  }
0x143: {  	[tilespmem:s5+$0xFFFFFFF0] =	vst v8;
	v8 =	vld [tilespmem:s5+$0x60];
	s5 =	sadd.s32 $0x100, s5  }
0x144: {  	v10 =	vmul.f32 v10, v5;
	[tilespmem:s9+$0x0] =	vst v7;
	v7 =	vmul.f32 v11, v5;
	v11 =	vld [tilespmem:s5+$0x70]  }
0x145: {  	v9 =	vld.idx.msk [tilespmem:v9+s8+$0x0], $0xffff  }
0x146: {  	[tilespmem:s9+$0x10] =	vst v10;
	v10 =	vmul.f32 v12, v5;
	v12 =	vld [tilespmem:s5+$0xFFFFFF80]  }
0x147: {  	[tilespmem:s9+$0x20] =	vst v7;
	v7 =	vmul.f32 v13, v5;
	v13 =	vld [tilespmem:s5+$0xFFFFFF90]  }
0x148: {  	[tilespmem:s9+$0x30] =	vst v10;
	v6 =	vmul.f32 v6, v5;
	v10 =	vld [tilespmem:s5+$0xFFFFFFA0]  }
0x149: {  	[tilespmem:s9+$0x40] =	vst v7;
	v5 =	vmul.f32 v8, v5;
	v7 =	vld [tilespmem:s5+$0xFFFFFFB0]  }
0x14a: {  	[tilespmem:s9+$0x50] =	vst v6;
	v6 =	vld [tilespmem:s5+$0xFFFFFFC0];
	v8 =	vmul.f32 v11, v9  }
0x14b: {  	[tilespmem:s9+$0x60] =	vst v5;
	v5 =	vmul.f32 v12, v9;
	v11 =	vld [tilespmem:s5+$0xFFFFFFD0]  }
0x14c: {  	v12 =	vmul.f32 v13, v9;
	v13 =	vld [tilespmem:s5+$0xFFFFFFE0];
	[tilespmem:s5+$0x70] =	vst v8  }
0x14d: {  	[tilespmem:s5+$0xFFFFFF80] =	vst v5;
	v5 =	vmul.f32 v10, v9;
	v8 =	vld [tilespmem:s5+$0xFFFFFFF0]  }
0x14e: {  	[tilespmem:s5+$0xFFFFFF90] =	vst v12;
	v7 =	vmul.f32 v7, v9;
	v10 =	vld [tilespmem:s5+$0x0]  }
0x14f: {  	[tilespmem:s5+$0xFFFFFFA0] =	vst v5;
	v5 =	vmul.f32 v6, v9;
	v6 =	vld [tilespmem:s5+$0x10]  }
0x150: {  	[tilespmem:s5+$0xFFFFFFB0] =	vst v7;
	v7 =	vmul.f32 v11, v9;
	v11 =	vld [tilespmem:s5+$0x20]  }
0x151: {  	v12 =	vld [tilespmem:s5+$0x30];
	[tilespmem:s5+$0xFFFFFFC0] =	vst v5;
	v5 =	vmul.f32 v13, v9  }
0x152: {  	[tilespmem:s5+$0xFFFFFFD0] =	vst v7;
	v7 =	vmul.f32 v8, v9;
	v8 =	vld [tilespmem:s5+$0x40]  }
0x153: {  	[tilespmem:s5+$0xFFFFFFE0] =	vst v5;
	v5 =	vmul.f32 v10, v9;
	v10 =	vld [tilespmem:s5+$0x50]  }
0x154: {  	[tilespmem:s5+$0xFFFFFFF0] =	vst v7;
	v6 =	vmul.f32 v6, v9;
	v7 =	vld [tilespmem:s5+$0x60]  }
0x155: {  	[tilespmem:s5+$0x0] =	vst v5;
	v5 =	vmul.f32 v11, v9  }
0x156: {  	[tilespmem:s5+$0x10] =	vst v6;
	v6 =	vmul.f32 v12, v9  }
0x157: {  	[tilespmem:s5+$0x20] =	vst v5;
	v5 =	vmul.f32 v8, v9  }
0x158: {  	[tilespmem:s5+$0x30] =	vst v6;
	v6 =	vmul.f32 v10, v9  }
0x159: {  	[tilespmem:s5+$0x40] =	vst v5;
	v5 =	vmul.f32 v7, v9  }
0x15a: {  	[tilespmem:s5+$0x50] =	vst v6  }
0x15b: {  	[tilespmem:s5+$0x60] =	vst v5  }
0x15c: {  	v5 =	vld [tilespmem:s21+$0x1920];
	_ =	sdelay $0x4  }
0x15d: {  	[tilespmem:$0xB930] =	vst v5  }
0x15e: {  	v5 =	vld [tilespmem:s21+$0x1930];
	_ =	sdelay $0x4  }
0x15f: {  	[tilespmem:$0xB940] =	vst v5  }
0x160: {  	_ =	strace $0x9000004E  }
0x161: {  	_ =	strace $0x8000004F  }
0x162: {  	[spmem:s4] =	stream.indirect.scatter.add.f32 [tilespmem:s26], [sflag:$0x3], $0x100, s10, s0, $0x2000b8;
	[tilespmem:$0x1F970] =	vst v63  }
0x163: {  	_ =	swait.ge [sflag:s24], $0x2000  }
0x164: {  	[sflag:s24] =	ssyncset.done $0x0  }
0x165: {  	[sflag:s24] =	ssyncadd.s32 $0xFFFFE000  }
0x166: {  	_ =	strace $0x9000004F  }
0x167: {  	s13 =	sadd.s32 $0x0, s18;
	_ =	strace $0x80000050  }
0x168: {  	v5 =	vmov s13;
	_ =	swait.ge [sflag:s11], $0x2000  }
0x169: {  	[sflag:s11] =	ssyncset.done $0x0  }
0x16a: {  	[sflag:s11] =	ssyncadd.s32 $0xFFFFE000  }
0x16b: {  	_ =	strace $0x90000050  }
0x16c: {  	_ =	strace $0x80000051  }
0x16d: {  	s5 =	simm.s32 $0x99B0;
	v5 =	vld.idx.msk [tilespmem:v5+s8+$0x0], $0xffff  }
0x16e: {  	v6 =	vld [tilespmem:s5+$0x70]  }
0x16f: {  	v7 =	vld [tilespmem:s5+$0xFFFFFF80]  }
0x170: {  	v10 =	vld [tilespmem:s5+$0xFFFFFFA0]  }
0x171: {  	v8 =	vld [tilespmem:s5+$0xFFFFFF90]  }
0x172: {  	v11 =	vld [tilespmem:s5+$0xFFFFFFB0]  }
0x173: {  	v12 =	vld [tilespmem:s5+$0xFFFFFFC0];
	v13 =	vmul.f32 v6, v5  }
0x174: {  	v9 =	vld [tilespmem:s5+$0xFFFFFFD0];
	v7 =	vmul.f32 v7, v5  }
0x175: {  	v6 =	vld [tilespmem:s5+$0xFFFFFFE0];
	v10 =	vmul.f32 v10, v5;
	[tilespmem:s5+$0x70] =	vst v13  }
0x176: {  	v13 =	vmul.f32 v8, v5;
	[tilespmem:s5+$0xFFFFFF80] =	vst v7;
	v8 =	vld [tilespmem:s5+$0xFFFFFFF0]  }
0x177: {  	v11 =	vmul.f32 v11, v5;
	v7 =	vld [tilespmem:s5+$0x0];
	[tilespmem:s5+$0xFFFFFFA0] =	vst v10  }
0x178: {  	s3 =	sadd.s32 $0x1, s18;
	s9 =	simm.s32 $0x99B0;
	s13 =	simm.s32 $0x2;
	v12 =	vmul.f32 v12, v5;
	v10 =	vld [tilespmem:s5+$0x10];
	[tilespmem:s5+$0xFFFFFF90] =	vst v13  }
.LBB2_21:
0x179: {  	p0 =	sne.s32 s13, $0x1F;
	v13 =	vmov s3;
	[tilespmem:s5+$0xFFFFFFB0] =	vst v11;
	v9 =	vmul.f32 v9, v5;
	v11 =	vld [tilespmem:s5+$0x20]  }
0x17a: {  	[tilespmem:s5+$0xFFFFFFC0] =	vst v12;
	v6 =	vmul.f32 v6, v5;
	v12 =	vld [tilespmem:s5+$0x30]  }
0x17b: {  	[tilespmem:s5+$0xFFFFFFD0] =	vst v9;
	v8 =	vmul.f32 v8, v5;
	v9 =	vld [tilespmem:s5+$0x40]  }
0x17c: {  	[tilespmem:s5+$0xFFFFFFE0] =	vst v6;
	v6 =	vmul.f32 v7, v5;
	v7 =	vld [tilespmem:s5+$0x50]  }
0x17d: {  	[tilespmem:s5+$0xFFFFFFF0] =	vst v8;
	v8 =	vmul.f32 v10, v5;
	v10 =	vld [tilespmem:s5+$0x60]  }
0x17e: {  	s5 =	sadd.s32 $0x100, s5;
	v13 =	vld.idx.msk [tilespmem:v13+s8+$0x0], $0xffff;
	[tilespmem:s9+$0x0] =	vst v6;
	v6 =	vmul.f32 v11, v5  }
0x17f: {  	v11 =	vld [tilespmem:s5+$0x70];
	[tilespmem:s9+$0x10] =	vst v8;
	v8 =	vmul.f32 v12, v5  }
0x180: {  	v12 =	vld [tilespmem:s5+$0xFFFFFF80];
	[tilespmem:s9+$0x20] =	vst v6;
	v6 =	vmul.f32 v9, v5  }
0x181: {  	v14 =	vld [tilespmem:s5+$0xFFFFFF90];
	[tilespmem:s9+$0x30] =	vst v8;
	v7 =	vmul.f32 v7, v5  }
0x182: {  	v8 =	vld [tilespmem:s5+$0xFFFFFFA0];
	[tilespmem:s9+$0x40] =	vst v6;
	v6 =	vmul.f32 v10, v5  }
0x183: {  	v10 =	vld [tilespmem:s5+$0xFFFFFFB0];
	[tilespmem:s9+$0x50] =	vst v7  }
0x184: {  	v5 =	vmov v13;
	v15 =	vld [tilespmem:s5+$0xFFFFFFC0];
	v7 =	vmul.f32 v11, v13;
	[tilespmem:s9+$0x60] =	vst v6;
	s9 =	smov.u32 s5  }
.Ltmp14:
0x185: {  	v11 =	vmul.f32 v12, v5;
	v9 =	vld [tilespmem:s5+$0xFFFFFFD0];
	(pc) =	sbr.rel @p0 .LBB2_21-.Ltmp14, $4  }
0x186: {  	v12 =	vmul.f32 v14, v5;
	v6 =	vld [tilespmem:s5+$0xFFFFFFE0];
	[tilespmem:s5+$0x70] =	vst v7  }
0x187: {  	[tilespmem:s5+$0xFFFFFF80] =	vst v11;
	v13 =	vmul.f32 v8, v5;
	v8 =	vld [tilespmem:s5+$0xFFFFFFF0]  }
0x188: {  	[tilespmem:s5+$0xFFFFFF90] =	vst v12;
	v11 =	vmul.f32 v10, v5;
	v7 =	vld [tilespmem:s5+$0x0]  }
0x189: {  	s3 =	sadd.s32 s13, s18;
	s13 =	sadd.s32 $0x1, s13;
	[tilespmem:s5+$0xFFFFFFA0] =	vst v13;
	v12 =	vmul.f32 v15, v5;
	v10 =	vld [tilespmem:s5+$0x10]  }
0x18a: {  	v45 =	vld [tilespmem:s5+$0x20]  }
0x18b: {  	[tilespmem:s5+$0xFFFFFFB0] =	vst v11;
	v9 =	vmul.f32 v9, v5;
	v46 =	vld [tilespmem:s5+$0x30];
	v47 =	vmov s3  }
0x18c: {  	v13 =	vld [tilespmem:s5+$0x40];
	[tilespmem:s5+$0xFFFFFFC0] =	vst v12;
	v6 =	vmul.f32 v6, v5  }
0x18d: {  	v48 =	vld [tilespmem:s5+$0x60];
	[tilespmem:s5+$0xFFFFFFD0] =	vst v9;
	v8 =	vmul.f32 v8, v5  }
0x18e: {  	s13 =	sadd.s32 $0x100, s5;
	[tilespmem:s5+$0xFFFFFFE0] =	vst v6;
	v6 =	vld [tilespmem:s5+$0x50];
	v7 =	vmul.f32 v7, v5  }
0x18f: {  	v49 =	vld [tilespmem:s13+$0x70];
	[tilespmem:s5+$0xFFFFFFF0] =	vst v8;
	v10 =	vmul.f32 v10, v5  }
0x190: {  	v9 =	vld.idx.msk [tilespmem:v47+s8+$0x0], $0xffff;
	[tilespmem:s9+$0x0] =	vst v7;
	v7 =	vmul.f32 v45, v5  }
0x191: {  	v51 =	vld [tilespmem:s13+$0xFFFFFF80];
	v50 =	vmul.f32 v46, v5;
	[tilespmem:s9+$0x10] =	vst v10  }
0x192: {  	v52 =	vld [tilespmem:s13+$0xFFFFFF90];
	[tilespmem:s9+$0x20] =	vst v7;
	v7 =	vmul.f32 v13, v5  }
0x193: {  	v53 =	vld [tilespmem:s13+$0xFFFFFFA0];
	[tilespmem:s9+$0x30] =	vst v50;
	v6 =	vmul.f32 v6, v5  }
0x194: {  	v5 =	vmul.f32 v48, v5;
	[tilespmem:s9+$0x40] =	vst v7;
	v7 =	vld [tilespmem:s13+$0xFFFFFFB0]  }
0x195: {  	[tilespmem:s9+$0x50] =	vst v6;
	v6 =	vld [tilespmem:s13+$0xFFFFFFC0];
	v54 =	vmul.f32 v49, v9  }
0x196: {  	v55 =	vld [tilespmem:s13+$0xFFFFFFD0];
	[tilespmem:s9+$0x60] =	vst v5;
	v5 =	vmul.f32 v51, v9  }
0x197: {  	v57 =	vld [tilespmem:s13+$0xFFFFFFE0];
	v56 =	vmul.f32 v52, v9;
	[tilespmem:s13+$0x70] =	vst v54  }
0x198: {  	v58 =	vld [tilespmem:s13+$0xFFFFFFF0];
	[tilespmem:s13+$0xFFFFFF80] =	vst v5;
	v5 =	vmul.f32 v53, v9  }
0x199: {  	v59 =	vld [tilespmem:s13+$0x0];
	[tilespmem:s13+$0xFFFFFF90] =	vst v56;
	v7 =	vmul.f32 v7, v9  }
0x19a: {  	[tilespmem:s13+$0xFFFFFFA0] =	vst v5;
	v5 =	vmul.f32 v6, v9;
	v6 =	vld [tilespmem:s13+$0x10]  }
0x19b: {  	v60 =	vld [tilespmem:s13+$0x20];
	[tilespmem:s13+$0xFFFFFFB0] =	vst v7;
	v7 =	vmul.f32 v55, v9  }
0x19c: {  	v61 =	vld [tilespmem:s13+$0x30];
	[tilespmem:s13+$0xFFFFFFC0] =	vst v5;
	v5 =	vmul.f32 v57, v9  }
0x19d: {  	v62 =	vld [tilespmem:s13+$0x40];
	[tilespmem:s13+$0xFFFFFFD0] =	vst v7;
	v7 =	vmul.f32 v58, v9  }
0x19e: {  	v63 =	vld [tilespmem:s13+$0x50];
	[tilespmem:s13+$0xFFFFFFE0] =	vst v5;
	v5 =	vmul.f32 v59, v9  }
0x19f: {  	[tilespmem:s13+$0xFFFFFFF0] =	vst v7;
	v6 =	vmul.f32 v6, v9;
	v7 =	vld [tilespmem:s13+$0x60]  }
0x1a0: {  	[tilespmem:s13+$0x0] =	vst v5;
	v5 =	vmul.f32 v60, v9  }
0x1a1: {  	[tilespmem:s13+$0x10] =	vst v6;
	v6 =	vmul.f32 v61, v9  }
0x1a2: {  	[tilespmem:s13+$0x20] =	vst v5;
	v5 =	vmul.f32 v62, v9  }
0x1a3: {  	[tilespmem:s13+$0x30] =	vst v6;
	v6 =	vmul.f32 v63, v9  }
0x1a4: {  	[tilespmem:s13+$0x40] =	vst v5;
	v5 =	vmul.f32 v7, v9  }
0x1a5: {  	[tilespmem:s13+$0x50] =	vst v6  }
0x1a6: {  	[tilespmem:s13+$0x60] =	vst v5  }
0x1a7: {  	v5 =	vld [tilespmem:s22+$0x1920];
	_ =	sdelay $0x4  }
0x1a8: {  	[tilespmem:$0xB950] =	vst v5  }
0x1a9: {  	v5 =	vld [tilespmem:s21+$0x1950];
	_ =	sdelay $0x4  }
0x1aa: {  	[tilespmem:$0xB960] =	vst v5  }
0x1ab: {  	s20 =	sadd.s32 $0x1, s20;
	_ =	strace $0x90000051  }
0x1ac: {  	p0 =	sne.s32 s20, s16;
	_ =	strace $0x80000052  }
0x1ad: {  	[spmem:s4] =	stream.indirect.scatter.add.f32 [tilespmem:s6], [sflag:$0x3], $0x100, s12, s0, $0x2000b8;
	[tilespmem:$0x1F970] =	vst v63  }
.Ltmp15:
0x1ae: {  	_ = 	snop;
	(pc) =	sbr.rel @p0 .LBB2_18-.Ltmp15, $4  }
.Ltmp16:
0x1af: {  	_ =	swait.ge [sflag:s24], $0x2000;
	(pc) =	sbr.rel @!p0 .LBB2_23-.Ltmp16, $4  }
0x1b0: {  	[sflag:s24] =	ssyncset.done $0x0  }
0x1b1: {  	[sflag:s24] =	ssyncadd.s32 $0xFFFFE000  }
0x1b2: {  	s17 =	sadd.s32 $0x40, s17;
	s18 =	sadd.s32 $0x40, s18;
	_ =	strace $0x90000052  }
0x1b3: {  	_ = 	snop  }
.LBB2_12:
.Ltmp17:
0x1b4: {  	(pc) =	sbr.rel .LBB2_16-.Ltmp17, $2  }
0x1b5: {  	_ =	sdelay $0x2  }
0x1b6: {  	s9 =	simm.s32 $0x21A0  }
.LBB2_14:
.Ltmp18:
0x1b7: {  	(pc) =	sbr.rel .LBB2_16-.Ltmp18, $2  }
0x1b8: {  	_ =	sdelay $0x2  }
0x1b9: {  	s9 =	simm.s32 $0x21A0  }
.LBB2_25:
0x1ba: {  	_ =	sfence.sel $0x180000  }
0x1bb: {  	[bflag:$0x0] =	sbarrier.arrive $0xFFFF  }
0x1bc: {  	_ =	strace $0x90000047  }
0x1bd: {  	s0 =	stileid.u32;
	[bflag:$0x2] =	sbarrier.arrive $0xFFFF  }
0x1be: {  	p0 =	sne.s32 s0, $0x0;
	s0 =	rddreg [dreg:$0x4]  }
0x1bf: {  	s0 =	sadd.s32 @!p0 $0x100000, s0  }
0x1c0: {  	[sflag:s0] =	ssyncadd.tile.s32 @!p0 $0x1;
	_ =	shalt  }
.Lfunc_end2:
_tile_overlayer_lowered:
.L_overlay_start_2:
0x1c1: {  	(tag) =	ssettag $0x2  }
0x1c2: {  	s0 =	rddreg [dreg:$0x0];
	s2 =	stileid.u32  }
0x1c3: {  	s1 =	rddreg [dreg:$0x1];
	p0 =	sne.s32 s2, $0x0  }
0x1c4: {  	s3 =	rddreg [dreg:$0x2];
	[bflag:$0x3] =	sbarrier.arrive $0xFFFF;
	s2 =	simm.s32 @!p0 $0x1C03  }
0x1c5: {  	[timem:s3], [sflag:s2] =	dma.local @!p0 [hbm:s0], s1  }
0x1c6: {  	s0 =	simm.s32 @!p0 $0x3  }
0x1c7: {  	_ =	swait.ge @!p0 [sflag:s0], s1  }
0x1c8: {  	s1 =	ssub.s32 @!p0 $0x0, s1;
	[sflag:s0] =	ssyncset.done @!p0 $0x0  }
0x1c9: {  	[sflag:s0] =	ssyncadd.s32 @!p0 s1  }
0x1ca: {  	[bflag:$0x3] =	sbarrier.arrive $0xFFFF  }
0x1cb: {  	_ =	shalt  }

</sc_bundles>
